<compile_context>
chip_gen: v7x
topology: tpu7x:2x2x1
jax: 0.10.2.dev20260603
libtpu: 0.0.44.dev20260713+nightly
codegen_flags: <defaults>
</compile_context>

<pallas_src>
import functools
import math

import jax
import jax.numpy as jnp
from jax import lax
from jax.experimental import pallas as pl
from jax.experimental.pallas import tpu as pltpu
from jax.experimental.pallas import tpu_sc as plsc

CUTOFF = 0.8

E = 6400000
EF = 1600000

NC = 2
NS = 16
NW = NC * NS
PER_W = EF // NW

DCHUNK = 10000
NDCHUNK = PER_W // DCHUNK
VCHUNK = 10000
NVCHUNK = PER_W // VCHUNK
L = 16


def _switch_chunk(d_v, sw_v, mf_v):
    half = math.pi / (2.0 * CUTOFF)

    def body(j, _):
        d = d_v[pl.ds(j * L, L)]
        y = d * half
        t = y * y
        c = 1.0 + t * (-0.5 + t * (1.0 / 24.0 + t * (-1.0 / 720.0
                                                     + t * (1.0 / 40320.0))))
        s = c * c
        m = d < CUTOFF
        sw_v[pl.ds(j * L, L)] = jnp.where(m, s, 0.0)
        mf_v[pl.ds(j * L, L)] = jnp.where(m, 1.0, 0.0)
        return 0

    lax.fori_loop(0, DCHUNK // L, body, 0)


def _sc_dist_body(dist_hbm, idx_hbm, od_hbm, osw_hbm, omf_hbm,
                  idx_v0, idx_v1, d_v0, d_v1, sw_v0, sw_v1, mf_v0, mf_v1,
                  sg, sw):
    idx_v = [idx_v0, idx_v1]
    d_v = [d_v0, d_v1]
    sw_v = [sw_v0, sw_v1]
    mf_v = [mf_v0, mf_v1]
    wid = lax.axis_index("s") * NC + lax.axis_index("c")
    base_w = wid * PER_W
    cp_g = [None, None]
    cp_w = [None, None]

    def emit_chunk(pb, pbase):
        _switch_chunk(d_v[pb], sw_v[pb], mf_v[pb])
        return [
            pltpu.async_copy(d_v[pb], od_hbm.at[pl.ds(pbase, DCHUNK)], sw),
            pltpu.async_copy(sw_v[pb], osw_hbm.at[pl.ds(pbase, DCHUNK)], sw),
            pltpu.async_copy(mf_v[pb], omf_hbm.at[pl.ds(pbase, DCHUNK)], sw),
        ]

    for c in range(NDCHUNK):
        b = c & 1
        if cp_w[b] is not None:
            for cp in cp_w[b]:
                cp.wait()
        pltpu.sync_copy(idx_hbm.at[pl.ds(base_w + c * DCHUNK, DCHUNK)],
                        idx_v[b])
        cp_g[b] = pltpu.async_copy(dist_hbm.at[idx_v[b]], d_v[b], sg)
        if c > 0:
            pb = 1 - b
            cp_g[pb].wait()
            cp_w[pb] = emit_chunk(pb, base_w + (c - 1) * DCHUNK)
    lb = (NDCHUNK - 1) & 1
    cp_g[lb].wait()
    for cp in emit_chunk(lb, base_w + (NDCHUNK - 1) * DCHUNK):
        cp.wait()
    if NDCHUNK > 1:
        for cp in cp_w[1 - lb]:
            cp.wait()


_sc_dist = functools.partial(
    pl.kernel,
    mesh=plsc.VectorSubcoreMesh(core_axis_name="c", subcore_axis_name="s"),
    out_type=[jax.ShapeDtypeStruct((EF,), jnp.float32)] * 3,
    scratch_types=(
        [pltpu.VMEM((DCHUNK,), jnp.int32)] * 2
        + [pltpu.VMEM((DCHUNK,), jnp.float32)] * 6
        + [pltpu.SemaphoreType.DMA, pltpu.SemaphoreType.DMA]
    ),
)(_sc_dist_body)


def _sc_vec_body(vx_hbm, vy_hbm, vz_hbm, idx_hbm, ox_hbm, oy_hbm, oz_hbm,
                 idx_v0, idx_v1, x_v0, x_v1, y_v0, y_v1, z_v0, z_v1, sg, sw):
    idx_v = [idx_v0, idx_v1]
    x_v = [x_v0, x_v1]
    y_v = [y_v0, y_v1]
    z_v = [z_v0, z_v1]
    wid = lax.axis_index("s") * NC + lax.axis_index("c")
    base_w = wid * PER_W
    cp_g = [None, None]
    cp_w = [None, None]
    for c in range(NVCHUNK):
        b = c & 1
        if cp_w[b] is not None:
            for cp in cp_w[b]:
                cp.wait()
        pltpu.sync_copy(idx_hbm.at[pl.ds(base_w + c * VCHUNK, VCHUNK)],
                        idx_v[b])
        cp_g[b] = [
            pltpu.async_copy(vx_hbm.at[idx_v[b]], x_v[b], sg),
            pltpu.async_copy(vy_hbm.at[idx_v[b]], y_v[b], sg),
            pltpu.async_copy(vz_hbm.at[idx_v[b]], z_v[b], sg),
        ]
        if c > 0:
            pb = 1 - b
            pbase = base_w + (c - 1) * VCHUNK
            for cp in cp_g[pb]:
                cp.wait()
            cp_w[pb] = [
                pltpu.async_copy(x_v[pb], ox_hbm.at[pl.ds(pbase, VCHUNK)], sw),
                pltpu.async_copy(y_v[pb], oy_hbm.at[pl.ds(pbase, VCHUNK)], sw),
                pltpu.async_copy(z_v[pb], oz_hbm.at[pl.ds(pbase, VCHUNK)], sw),
            ]
    lb = (NVCHUNK - 1) & 1
    lbase = base_w + (NVCHUNK - 1) * VCHUNK
    for cp in cp_g[lb]:
        cp.wait()
    pltpu.sync_copy(x_v[lb], ox_hbm.at[pl.ds(lbase, VCHUNK)])
    pltpu.sync_copy(y_v[lb], oy_hbm.at[pl.ds(lbase, VCHUNK)])
    pltpu.sync_copy(z_v[lb], oz_hbm.at[pl.ds(lbase, VCHUNK)])
    if NVCHUNK > 1:
        for cp in cp_w[1 - lb]:
            cp.wait()


_sc_vec = functools.partial(
    pl.kernel,
    mesh=plsc.VectorSubcoreMesh(core_axis_name="c", subcore_axis_name="s"),
    out_type=[jax.ShapeDtypeStruct((EF,), jnp.float32)] * 3,
    scratch_types=(
        [pltpu.VMEM((VCHUNK,), jnp.int32)] * 2
        + [pltpu.VMEM((VCHUNK,), jnp.float32)] * 6
        + [pltpu.SemaphoreType.DMA, pltpu.SemaphoreType.DMA]
    ),
)(_sc_vec_body)


def kernel(vec, distances, filter_indices):
    dist_f, switch, maskf = _sc_dist(distances, filter_indices)
    vt = vec.T
    vx, vy, vz = vt[0], vt[1], vt[2]
    idx2 = lax.optimization_barrier((filter_indices, dist_f))[0]
    xf, yf, zf = _sc_vec(vx, vy, vz, idx2)
    ci = lax.broadcasted_iota(jnp.int32, (EF, 3), 1)
    bx = lax.broadcast_in_dim(xf, (EF, 3), (0,))
    by = lax.broadcast_in_dim(yf, (EF, 3), (0,))
    bz = lax.broadcast_in_dim(zf, (EF, 3), (0,))
    vec_f = jnp.where(ci == 0, bx, jnp.where(ci == 1, by, bz))
    return vec_f, dist_f, switch, maskf.astype(jnp.bool_)

# --- scband reference (transcript-rebuilt; emitter-appended) ---
"""Pipeline reference for scband-graph-filter-processor-21225728377454 (READ-ONLY COPY).

The authoritative reference and input builder live on the scoring server;
editing this copy changes nothing except your own understanding.
"""

import jax, jax.numpy as jnp
import numpy as np

CUTOFF = 0.8


def switch_function(distances, edge_mask, cutoff):
    # FeNNol default 'cosine' switching function with switch_start=0:
    # s(r) = 0.5*(cos(pi*r/cutoff)+1) inside the cutoff, 0 outside.
    x = distances * (np.pi / cutoff)
    s = 0.5 * (jnp.cos(x) + 1.0)
    return jnp.where(edge_mask, s, 0.0)


def setup_inputs(seed: int = 0) -> dict:
    key = jax.random.key(seed)
    k1, k2, k3 = jax.random.split(key, 3)
    E = 6400000   # parent graph edges (100k nodes * deg 64)
    Ef = 1600000  # filtered graph edges
    vec = jax.random.normal(k1, (E, 3), dtype=jnp.float32)
    distances = jax.random.uniform(k2, (E,), dtype=jnp.float32)
    filter_indices = jax.random.randint(k3, (Ef,), 0, E, dtype=jnp.int32)
    return {"vec": vec, "distances": distances, "filter_indices": filter_indices}


def reference(vec, distances, filter_indices):
    cutoff = CUTOFF
    # gather parent-graph edge data into the filtered graph, OOB -> fill with cutoff
    vec_f = vec.at[filter_indices].get(mode="fill", fill_value=cutoff)
    dist_f = distances.at[filter_indices].get(mode="fill", fill_value=cutoff)
    edge_mask = dist_f < cutoff
    switch = switch_function(dist_f, edge_mask, cutoff)
    # graph_out fields: vec, distances, switch, edge_mask (filter_indices passed through)
    return vec_f, dist_f, switch, edge_mask

if __name__ == "__main__":
    import jax
    _d = setup_inputs()
    print(jax.jit(kernel)(*tuple(_d.values())))

</pallas_src>

<mosaic_0001>
#map = affine_map<(d0, d1) -> (0)>
module attributes {stable_mosaic.version = 14 : i64} {
  func.func @_sc_dist_body(%arg0: i32, %arg1: i32, %arg2: memref<6400000xf32, #tpu.memory_space<hbm>>, %arg3: memref<1600000xi32, #tpu.memory_space<hbm>>, %arg4: memref<1600000xf32, #tpu.memory_space<hbm>>, %arg5: memref<1600000xf32, #tpu.memory_space<hbm>>, %arg6: memref<1600000xf32, #tpu.memory_space<hbm>>, %arg7: memref<10000xi32, #tpu.memory_space<vmem>>, %arg8: memref<10000xi32, #tpu.memory_space<vmem>>, %arg9: memref<10000xf32, #tpu.memory_space<vmem>>, %arg10: memref<10000xf32, #tpu.memory_space<vmem>>, %arg11: memref<10000xf32, #tpu.memory_space<vmem>>, %arg12: memref<10000xf32, #tpu.memory_space<vmem>>, %arg13: memref<10000xf32, #tpu.memory_space<vmem>>, %arg14: memref<10000xf32, #tpu.memory_space<vmem>>, %arg15: memref<!tpu.dma_semaphore, #tpu.memory_space<semaphore_mem>>, %arg16: memref<!tpu.dma_semaphore, #tpu.memory_space<semaphore_mem>>) attributes {dimension_semantics = [#tpu.dimension_semantics<core_parallel>, #tpu.dimension_semantics<subcore_parallel>], iteration_bounds = array<i64: 2, 16>, scalar_prefetch = 0 : i64, scratch_operands = 10 : i64, tpu.core_type = #tpu.core_type<sc_vector_subcore>, window_params = [{transform_indices = #map}, {transform_indices = #map}, {transform_indices = #map}, {transform_indices = #map}, {transform_indices = #map}]} {
    %mul3A = arith.constant 2 : i32
    %mul3A_0 = arith.muli %arg1, %mul3A : i32
    %add3A = arith.addi %mul3A_0, %arg0 : i32
    %mul3A_1 = arith.constant 50000 : i32
    %mul3A_2 = arith.muli %add3A, %mul3A_1 : i32
    %add3A_3 = arith.constant 0 : i32
    %add3A_4 = arith.addi %mul3A_2, %add3A_3 : i32
    "tpu.region"() ({
      %run_scoped3A = tpu.sem_alloc : memref<!tpu.dma_semaphore, #tpu.memory_space<semaphore_mem>>
      %dma_start3A_135 = tpu.memref_slice %arg3[%add3A_4] : memref<1600000xi32, #tpu.memory_space<hbm>> -> memref<10000xi32, #tpu.memory_space<hbm>>
      %dma_start3A_136 = tpu.memref_slice %arg3[%add3A_4] : memref<1600000xi32, #tpu.memory_space<hbm>> -> memref<10000xi32, #tpu.memory_space<hbm>>
      tpu.enqueue_dma source(%dma_start3A_136 : memref<10000xi32, #tpu.memory_space<hbm>>) target(%arg7 : memref<10000xi32, #tpu.memory_space<vmem>>) target_semaphore(%run_scoped3A : memref<!tpu.dma_semaphore, #tpu.memory_space<semaphore_mem>>)
      %dma_wait3A_137 = tpu.memref_slice %arg3[%add3A_4] : memref<1600000xi32, #tpu.memory_space<hbm>> -> memref<10000xi32, #tpu.memory_space<hbm>>
      %dma_wait3A_138 = tpu.memref_slice %arg3[%add3A_4] : memref<1600000xi32, #tpu.memory_space<hbm>> -> memref<10000xi32, #tpu.memory_space<hbm>>
      tpu.wait_dma2 semaphore(%run_scoped3A : memref<!tpu.dma_semaphore, #tpu.memory_space<semaphore_mem>>) src(%dma_wait3A_138 : memref<10000xi32, #tpu.memory_space<hbm>>) dst(%arg7 : memref<10000xi32, #tpu.memory_space<vmem>>)
      tpu.yield
    }) : () -> ()
    %dma_start3A = arith.constant 0 : i32
    %dma_start3A_5 = tpu.memref_slice %arg2[%dma_start3A] : memref<6400000xf32, #tpu.memory_space<hbm>> -> memref<6400000xf32, #tpu.memory_space<hbm>>
    tpu.enqueue_indirect_dma source(%dma_start3A_5 : memref<6400000xf32, #tpu.memory_space<hbm>>) target(%arg9 : memref<10000xf32, #tpu.memory_space<vmem>>) offsets(%arg7 : memref<10000xi32, #tpu.memory_space<vmem>>) semaphore(%arg15 : memref<!tpu.dma_semaphore, #tpu.memory_space<semaphore_mem>>)
    %add3A_6 = arith.constant 10000 : i32
    %add3A_7 = arith.addi %mul3A_2, %add3A_6 : i32
    "tpu.region"() ({
      %run_scoped3A = tpu.sem_alloc : memref<!tpu.dma_semaphore, #tpu.memory_space<semaphore_mem>>
      %dma_start3A_135 = tpu.memref_slice %arg3[%add3A_7] : memref<1600000xi32, #tpu.memory_space<hbm>> -> memref<10000xi32, #tpu.memory_space<hbm>>
      %dma_start3A_136 = tpu.memref_slice %arg3[%add3A_7] : memref<1600000xi32, #tpu.memory_space<hbm>> -> memref<10000xi32, #tpu.memory_space<hbm>>
      tpu.enqueue_dma source(%dma_start3A_136 : memref<10000xi32, #tpu.memory_space<hbm>>) target(%arg8 : memref<10000xi32, #tpu.memory_space<vmem>>) target_semaphore(%run_scoped3A : memref<!tpu.dma_semaphore, #tpu.memory_space<semaphore_mem>>)
      %dma_wait3A_137 = tpu.memref_slice %arg3[%add3A_7] : memref<1600000xi32, #tpu.memory_space<hbm>> -> memref<10000xi32, #tpu.memory_space<hbm>>
      %dma_wait3A_138 = tpu.memref_slice %arg3[%add3A_7] : memref<1600000xi32, #tpu.memory_space<hbm>> -> memref<10000xi32, #tpu.memory_space<hbm>>
      tpu.wait_dma2 semaphore(%run_scoped3A : memref<!tpu.dma_semaphore, #tpu.memory_space<semaphore_mem>>) src(%dma_wait3A_138 : memref<10000xi32, #tpu.memory_space<hbm>>) dst(%arg8 : memref<10000xi32, #tpu.memory_space<vmem>>)
      tpu.yield
    }) : () -> ()
    %dma_start3A_8 = arith.constant 0 : i32
    %dma_start3A_9 = tpu.memref_slice %arg2[%dma_start3A_8] : memref<6400000xf32, #tpu.memory_space<hbm>> -> memref<6400000xf32, #tpu.memory_space<hbm>>
    tpu.enqueue_indirect_dma source(%dma_start3A_9 : memref<6400000xf32, #tpu.memory_space<hbm>>) target(%arg10 : memref<10000xf32, #tpu.memory_space<vmem>>) offsets(%arg8 : memref<10000xi32, #tpu.memory_space<vmem>>) semaphore(%arg15 : memref<!tpu.dma_semaphore, #tpu.memory_space<semaphore_mem>>)
    %dma_wait3A = arith.constant 0 : i32
    %dma_wait3A_10 = tpu.memref_slice %arg2[%dma_wait3A] : memref<6400000xf32, #tpu.memory_space<hbm>> -> memref<6400000xf32, #tpu.memory_space<hbm>>
    tpu.wait_indirect_dma semaphore(%arg15 : memref<!tpu.dma_semaphore, #tpu.memory_space<semaphore_mem>>) src(%dma_wait3A_10 : memref<6400000xf32, #tpu.memory_space<hbm>>) dst(%arg9 : memref<10000xf32, #tpu.memory_space<vmem>>)
    %add3A_11 = arith.constant 0 : i32
    %add3A_12 = arith.addi %mul3A_2, %add3A_11 : i32
    %scan3A = arith.constant 0 : i32
    %scan3A_13 = arith.constant 0 : i32
    %scan3A_14 = arith.constant 625 : i32
    %scan3A_15 = arith.addi %scan3A_13, %scan3A_14 : i32
    %scan3A_16 = arith.constant 1 : i32
    %scan3A_17 = scf.for %scan3A_135 = %scan3A_13 to %scan3A_15 step %scan3A_16 iter_args(%scan3A_136 = %scan3A) -> (i32)  : i32 {
      %mul3A_137 = arith.constant 16 : i32
      %mul3A_138 = arith.muli %scan3A_135, %mul3A_137 : i32
      %get3A = arith.index_cast %mul3A_138 : i32 to index
      %get3A_139 = tpu.vector_load %arg9[%get3A] {strides = array<i32>} : memref<10000xf32, #tpu.memory_space<vmem>>, vector<16xf32>,
      %get3A_140 = vector.shape_cast %get3A_139 : vector<16xf32> to vector<16xf32>
      %mul3A_141 = arith.constant 1.96349537 : f32
      %mul3A_142 = vector.broadcast %mul3A_141 : f32 to vector<16xf32>
      %mul3A_143 = arith.mulf %get3A_140, %mul3A_142 : vector<16xf32>
      %mul3A_144 = arith.mulf %mul3A_143, %mul3A_143 : vector<16xf32>
      %mul3A_145 = arith.constant 2.48015876E-5 : f32
      %mul3A_146 = vector.broadcast %mul3A_145 : f32 to vector<16xf32>
      %mul3A_147 = arith.mulf %mul3A_144, %mul3A_146 : vector<16xf32>
      %add3A_148 = arith.constant -0.00138888892 : f32
      %add3A_149 = vector.broadcast %add3A_148 : f32 to vector<16xf32>
      %add3A_150 = arith.addf %add3A_149, %mul3A_147 : vector<16xf32>
      %mul3A_151 = arith.mulf %mul3A_144, %add3A_150 : vector<16xf32>
      %add3A_152 = arith.constant 0.0416666679 : f32
      %add3A_153 = vector.broadcast %add3A_152 : f32 to vector<16xf32>
      %add3A_154 = arith.addf %add3A_153, %mul3A_151 : vector<16xf32>
      %mul3A_155 = arith.mulf %mul3A_144, %add3A_154 : vector<16xf32>
      %add3A_156 = arith.constant -5.000000e-01 : f32
      %add3A_157 = vector.broadcast %add3A_156 : f32 to vector<16xf32>
      %add3A_158 = arith.addf %add3A_157, %mul3A_155 : vector<16xf32>
      %mul3A_159 = arith.mulf %mul3A_144, %add3A_158 : vector<16xf32>
      %add3A_160 = arith.constant 1.000000e+00 : f32
      %add3A_161 = vector.broadcast %add3A_160 : f32 to vector<16xf32>
      %add3A_162 = arith.addf %add3A_161, %mul3A_159 : vector<16xf32>
      %mul3A_163 = arith.mulf %add3A_162, %add3A_162 : vector<16xf32>
      %lt3A = arith.constant 8.000000e-01 : f32
      %lt3A_164 = vector.broadcast %lt3A : f32 to vector<16xf32>
      %lt3A_165 = arith.cmpf olt, %get3A_140, %lt3A_164 : vector<16xf32>
      %jit3A = arith.constant 0.000000e+00 : f32
      %broadcast_in_dim3A = vector.broadcast %jit3A : f32 to vector<16xf32>
      %select_n3A = arith.select %lt3A_165, %mul3A_163, %broadcast_in_dim3A : vector<16xi1>, vector<16xf32>
      %mul3A_166 = arith.constant 16 : i32
      %mul3A_167 = arith.muli %scan3A_135, %mul3A_166 : i32
      %swap3A = arith.index_cast %mul3A_167 : i32 to index
      %swap3A_168 = tpu.vector_load %arg11[%swap3A] {strides = array<i32>} : memref<10000xf32, #tpu.memory_space<vmem>>, vector<16xf32>,
      %swap3A_169 = vector.shape_cast %swap3A_168 : vector<16xf32> to vector<16xf32>
      %swap3A_170 = vector.shape_cast %select_n3A : vector<16xf32> to vector<16xf32>
      tpu.vector_store %arg11[%swap3A], %swap3A_170 {strides = array<i32>} : memref<10000xf32, #tpu.memory_space<vmem>>, vector<16xf32>,
      %jit3A_171 = arith.constant 1.000000e+00 : f32
      %jit3A_172 = arith.constant 0.000000e+00 : f32
      %broadcast_in_dim3A_173 = vector.broadcast %jit3A_171 : f32 to vector<16xf32>
      %broadcast_in_dim3A_174 = vector.broadcast %jit3A_172 : f32 to vector<16xf32>
      %select_n3A_175 = arith.select %lt3A_165, %broadcast_in_dim3A_173, %broadcast_in_dim3A_174 : vector<16xi1>, vector<16xf32>
      %mul3A_176 = arith.constant 16 : i32
      %mul3A_177 = arith.muli %scan3A_135, %mul3A_176 : i32
      %swap3A_178 = arith.index_cast %mul3A_177 : i32 to index
      %swap3A_179 = tpu.vector_load %arg13[%swap3A_178] {strides = array<i32>} : memref<10000xf32, #tpu.memory_space<vmem>>, vector<16xf32>,
      %swap3A_180 = vector.shape_cast %swap3A_179 : vector<16xf32> to vector<16xf32>
      %swap3A_181 = vector.shape_cast %select_n3A_175 : vector<16xf32> to vector<16xf32>
      tpu.vector_store %arg13[%swap3A_178], %swap3A_181 {strides = array<i32>} : memref<10000xf32, #tpu.memory_space<vmem>>, vector<16xf32>,
      %scan3A_182 = arith.constant 0 : i32
      scf.yield %scan3A_182 : i32
    }
    %scan3A_18 = arith.constant 625 : i32
    %dma_start3A_19 = tpu.memref_slice %arg4[%add3A_12] : memref<1600000xf32, #tpu.memory_space<hbm>> -> memref<10000xf32, #tpu.memory_space<hbm>>
    %dma_start3A_20 = tpu.memref_slice %arg4[%add3A_12] : memref<1600000xf32, #tpu.memory_space<hbm>> -> memref<10000xf32, #tpu.memory_space<hbm>>
    tpu.enqueue_dma source(%arg9 : memref<10000xf32, #tpu.memory_space<vmem>>) target(%dma_start3A_20 : memref<10000xf32, #tpu.memory_space<hbm>>) target_semaphore(%arg16 : memref<!tpu.dma_semaphore, #tpu.memory_space<semaphore_mem>>)
    %dma_start3A_21 = tpu.memref_slice %arg5[%add3A_12] : memref<1600000xf32, #tpu.memory_space<hbm>> -> memref<10000xf32, #tpu.memory_space<hbm>>
    %dma_start3A_22 = tpu.memref_slice %arg5[%add3A_12] : memref<1600000xf32, #tpu.memory_space<hbm>> -> memref<10000xf32, #tpu.memory_space<hbm>>
    tpu.enqueue_dma source(%arg11 : memref<10000xf32, #tpu.memory_space<vmem>>) target(%dma_start3A_22 : memref<10000xf32, #tpu.memory_space<hbm>>) target_semaphore(%arg16 : memref<!tpu.dma_semaphore, #tpu.memory_space<semaphore_mem>>)
    %dma_start3A_23 = tpu.memref_slice %arg6[%add3A_12] : memref<1600000xf32, #tpu.memory_space<hbm>> -> memref<10000xf32, #tpu.memory_space<hbm>>
    %dma_start3A_24 = tpu.memref_slice %arg6[%add3A_12] : memref<1600000xf32, #tpu.memory_space<hbm>> -> memref<10000xf32, #tpu.memory_space<hbm>>
    tpu.enqueue_dma source(%arg13 : memref<10000xf32, #tpu.memory_space<vmem>>) target(%dma_start3A_24 : memref<10000xf32, #tpu.memory_space<hbm>>) target_semaphore(%arg16 : memref<!tpu.dma_semaphore, #tpu.memory_space<semaphore_mem>>)
    %dma_wait3A_25 = tpu.memref_slice %arg4[%add3A_12] : memref<1600000xf32, #tpu.memory_space<hbm>> -> memref<10000xf32, #tpu.memory_space<hbm>>
    %dma_wait3A_26 = tpu.memref_slice %arg4[%add3A_12] : memref<1600000xf32, #tpu.memory_space<hbm>> -> memref<10000xf32, #tpu.memory_space<hbm>>
    tpu.wait_dma2 semaphore(%arg16 : memref<!tpu.dma_semaphore, #tpu.memory_space<semaphore_mem>>) src(%arg9 : memref<10000xf32, #tpu.memory_space<vmem>>) dst(%dma_wait3A_26 : memref<10000xf32, #tpu.memory_space<hbm>>)
    %dma_wait3A_27 = tpu.memref_slice %arg5[%add3A_12] : memref<1600000xf32, #tpu.memory_space<hbm>> -> memref<10000xf32, #tpu.memory_space<hbm>>
    %dma_wait3A_28 = tpu.memref_slice %arg5[%add3A_12] : memref<1600000xf32, #tpu.memory_space<hbm>> -> memref<10000xf32, #tpu.memory_space<hbm>>
    tpu.wait_dma2 semaphore(%arg16 : memref<!tpu.dma_semaphore, #tpu.memory_space<semaphore_mem>>) src(%arg11 : memref<10000xf32, #tpu.memory_space<vmem>>) dst(%dma_wait3A_28 : memref<10000xf32, #tpu.memory_space<hbm>>)
    %dma_wait3A_29 = tpu.memref_slice %arg6[%add3A_12] : memref<1600000xf32, #tpu.memory_space<hbm>> -> memref<10000xf32, #tpu.memory_space<hbm>>
    %dma_wait3A_30 = tpu.memref_slice %arg6[%add3A_12] : memref<1600000xf32, #tpu.memory_space<hbm>> -> memref<10000xf32, #tpu.memory_space<hbm>>
    tpu.wait_dma2 semaphore(%arg16 : memref<!tpu.dma_semaphore, #tpu.memory_space<semaphore_mem>>) src(%arg13 : memref<10000xf32, #tpu.memory_space<vmem>>) dst(%dma_wait3A_30 : memref<10000xf32, #tpu.memory_space<hbm>>)
    %add3A_31 = arith.constant 20000 : i32
    %add3A_32 = arith.addi %mul3A_2, %add3A_31 : i32
    "tpu.region"() ({
      %run_scoped3A = tpu.sem_alloc : memref<!tpu.dma_semaphore, #tpu.memory_space<semaphore_mem>>
      %dma_start3A_135 = tpu.memref_slice %arg3[%add3A_32] : memref<1600000xi32, #tpu.memory_space<hbm>> -> memref<10000xi32, #tpu.memory_space<hbm>>
      %dma_start3A_136 = tpu.memref_slice %arg3[%add3A_32] : memref<1600000xi32, #tpu.memory_space<hbm>> -> memref<10000xi32, #tpu.memory_space<hbm>>
      tpu.enqueue_dma source(%dma_start3A_136 : memref<10000xi32, #tpu.memory_space<hbm>>) target(%arg7 : memref<10000xi32, #tpu.memory_space<vmem>>) target_semaphore(%run_scoped3A : memref<!tpu.dma_semaphore, #tpu.memory_space<semaphore_mem>>)
      %dma_wait3A_137 = tpu.memref_slice %arg3[%add3A_32] : memref<1600000xi32, #tpu.memory_space<hbm>> -> memref<10000xi32, #tpu.memory_space<hbm>>
      %dma_wait3A_138 = tpu.memref_slice %arg3[%add3A_32] : memref<1600000xi32, #tpu.memory_space<hbm>> -> memref<10000xi32, #tpu.memory_space<hbm>>
      tpu.wait_dma2 semaphore(%run_scoped3A : memref<!tpu.dma_semaphore, #tpu.memory_space<semaphore_mem>>) src(%dma_wait3A_138 : memref<10000xi32, #tpu.memory_space<hbm>>) dst(%arg7 : memref<10000xi32, #tpu.memory_space<vmem>>)
      tpu.yield
    }) : () -> ()
    %dma_start3A_33 = arith.constant 0 : i32
    %dma_start3A_34 = tpu.memref_slice %arg2[%dma_start3A_33] : memref<6400000xf32, #tpu.memory_space<hbm>> -> memref<6400000xf32, #tpu.memory_space<hbm>>
    tpu.enqueue_indirect_dma source(%dma_start3A_34 : memref<6400000xf32, #tpu.memory_space<hbm>>) target(%arg9 : memref<10000xf32, #tpu.memory_space<vmem>>) offsets(%arg7 : memref<10000xi32, #tpu.memory_space<vmem>>) semaphore(%arg15 : memref<!tpu.dma_semaphore, #tpu.memory_space<semaphore_mem>>)
    %dma_wait3A_35 = arith.constant 0 : i32
    %dma_wait3A_36 = tpu.memref_slice %arg2[%dma_wait3A_35] : memref<6400000xf32, #tpu.memory_space<hbm>> -> memref<6400000xf32, #tpu.memory_space<hbm>>
    tpu.wait_indirect_dma semaphore(%arg15 : memref<!tpu.dma_semaphore, #tpu.memory_space<semaphore_mem>>) src(%dma_wait3A_36 : memref<6400000xf32, #tpu.memory_space<hbm>>) dst(%arg10 : memref<10000xf32, #tpu.memory_space<vmem>>)
    %add3A_37 = arith.constant 10000 : i32
    %add3A_38 = arith.addi %mul3A_2, %add3A_37 : i32
    %scan3A_39 = arith.constant 0 : i32
    %scan3A_40 = arith.constant 0 : i32
    %scan3A_41 = arith.constant 625 : i32
    %scan3A_42 = arith.addi %scan3A_40, %scan3A_41 : i32
    %scan3A_43 = arith.constant 1 : i32
    %scan3A_44 = scf.for %scan3A_135 = %scan3A_40 to %scan3A_42 step %scan3A_43 iter_args(%scan3A_136 = %scan3A_39) -> (i32)  : i32 {
      %mul3A_137 = arith.constant 16 : i32
      %mul3A_138 = arith.muli %scan3A_135, %mul3A_137 : i32
      %get3A = arith.index_cast %mul3A_138 : i32 to index
      %get3A_139 = tpu.vector_load %arg10[%get3A] {strides = array<i32>} : memref<10000xf32, #tpu.memory_space<vmem>>, vector<16xf32>,
      %get3A_140 = vector.shape_cast %get3A_139 : vector<16xf32> to vector<16xf32>
      %mul3A_141 = arith.constant 1.96349537 : f32
      %mul3A_142 = vector.broadcast %mul3A_141 : f32 to vector<16xf32>
      %mul3A_143 = arith.mulf %get3A_140, %mul3A_142 : vector<16xf32>
      %mul3A_144 = arith.mulf %mul3A_143, %mul3A_143 : vector<16xf32>
      %mul3A_145 = arith.constant 2.48015876E-5 : f32
      %mul3A_146 = vector.broadcast %mul3A_145 : f32 to vector<16xf32>
      %mul3A_147 = arith.mulf %mul3A_144, %mul3A_146 : vector<16xf32>
      %add3A_148 = arith.constant -0.00138888892 : f32
      %add3A_149 = vector.broadcast %add3A_148 : f32 to vector<16xf32>
      %add3A_150 = arith.addf %add3A_149, %mul3A_147 : vector<16xf32>
      %mul3A_151 = arith.mulf %mul3A_144, %add3A_150 : vector<16xf32>
      %add3A_152 = arith.constant 0.0416666679 : f32
      %add3A_153 = vector.broadcast %add3A_152 : f32 to vector<16xf32>
      %add3A_154 = arith.addf %add3A_153, %mul3A_151 : vector<16xf32>
      %mul3A_155 = arith.mulf %mul3A_144, %add3A_154 : vector<16xf32>
      %add3A_156 = arith.constant -5.000000e-01 : f32
      %add3A_157 = vector.broadcast %add3A_156 : f32 to vector<16xf32>
      %add3A_158 = arith.addf %add3A_157, %mul3A_155 : vector<16xf32>
      %mul3A_159 = arith.mulf %mul3A_144, %add3A_158 : vector<16xf32>
      %add3A_160 = arith.constant 1.000000e+00 : f32
      %add3A_161 = vector.broadcast %add3A_160 : f32 to vector<16xf32>
      %add3A_162 = arith.addf %add3A_161, %mul3A_159 : vector<16xf32>
      %mul3A_163 = arith.mulf %add3A_162, %add3A_162 : vector<16xf32>
      %lt3A = arith.constant 8.000000e-01 : f32
      %lt3A_164 = vector.broadcast %lt3A : f32 to vector<16xf32>
      %lt3A_165 = arith.cmpf olt, %get3A_140, %lt3A_164 : vector<16xf32>
      %jit3A = arith.constant 0.000000e+00 : f32
      %broadcast_in_dim3A = vector.broadcast %jit3A : f32 to vector<16xf32>
      %select_n3A = arith.select %lt3A_165, %mul3A_163, %broadcast_in_dim3A : vector<16xi1>, vector<16xf32>
      %mul3A_166 = arith.constant 16 : i32
      %mul3A_167 = arith.muli %scan3A_135, %mul3A_166 : i32
      %swap3A = arith.index_cast %mul3A_167 : i32 to index
      %swap3A_168 = tpu.vector_load %arg12[%swap3A] {strides = array<i32>} : memref<10000xf32, #tpu.memory_space<vmem>>, vector<16xf32>,
      %swap3A_169 = vector.shape_cast %swap3A_168 : vector<16xf32> to vector<16xf32>
      %swap3A_170 = vector.shape_cast %select_n3A : vector<16xf32> to vector<16xf32>
      tpu.vector_store %arg12[%swap3A], %swap3A_170 {strides = array<i32>} : memref<10000xf32, #tpu.memory_space<vmem>>, vector<16xf32>,
      %jit3A_171 = arith.constant 1.000000e+00 : f32
      %jit3A_172 = arith.constant 0.000000e+00 : f32
      %broadcast_in_dim3A_173 = vector.broadcast %jit3A_171 : f32 to vector<16xf32>
      %broadcast_in_dim3A_174 = vector.broadcast %jit3A_172 : f32 to vector<16xf32>
      %select_n3A_175 = arith.select %lt3A_165, %broadcast_in_dim3A_173, %broadcast_in_dim3A_174 : vector<16xi1>, vector<16xf32>
      %mul3A_176 = arith.constant 16 : i32
      %mul3A_177 = arith.muli %scan3A_135, %mul3A_176 : i32
      %swap3A_178 = arith.index_cast %mul3A_177 : i32 to index
      %swap3A_179 = tpu.vector_load %arg14[%swap3A_178] {strides = array<i32>} : memref<10000xf32, #tpu.memory_space<vmem>>, vector<16xf32>,
      %swap3A_180 = vector.shape_cast %swap3A_179 : vector<16xf32> to vector<16xf32>
      %swap3A_181 = vector.shape_cast %select_n3A_175 : vector<16xf32> to vector<16xf32>
      tpu.vector_store %arg14[%swap3A_178], %swap3A_181 {strides = array<i32>} : memref<10000xf32, #tpu.memory_space<vmem>>, vector<16xf32>,
      %scan3A_182 = arith.constant 0 : i32
      scf.yield %scan3A_182 : i32
    }
    %scan3A_45 = arith.constant 625 : i32
    %dma_start3A_46 = tpu.memref_slice %arg4[%add3A_38] : memref<1600000xf32, #tpu.memory_space<hbm>> -> memref<10000xf32, #tpu.memory_space<hbm>>
    %dma_start3A_47 = tpu.memref_slice %arg4[%add3A_38] : memref<1600000xf32, #tpu.memory_space<hbm>> -> memref<10000xf32, #tpu.memory_space<hbm>>
    tpu.enqueue_dma source(%arg10 : memref<10000xf32, #tpu.memory_space<vmem>>) target(%dma_start3A_47 : memref<10000xf32, #tpu.memory_space<hbm>>) target_semaphore(%arg16 : memref<!tpu.dma_semaphore, #tpu.memory_space<semaphore_mem>>)
    %dma_start3A_48 = tpu.memref_slice %arg5[%add3A_38] : memref<1600000xf32, #tpu.memory_space<hbm>> -> memref<10000xf32, #tpu.memory_space<hbm>>
    %dma_start3A_49 = tpu.memref_slice %arg5[%add3A_38] : memref<1600000xf32, #tpu.memory_space<hbm>> -> memref<10000xf32, #tpu.memory_space<hbm>>
    tpu.enqueue_dma source(%arg12 : memref<10000xf32, #tpu.memory_space<vmem>>) target(%dma_start3A_49 : memref<10000xf32, #tpu.memory_space<hbm>>) target_semaphore(%arg16 : memref<!tpu.dma_semaphore, #tpu.memory_space<semaphore_mem>>)
    %dma_start3A_50 = tpu.memref_slice %arg6[%add3A_38] : memref<1600000xf32, #tpu.memory_space<hbm>> -> memref<10000xf32, #tpu.memory_space<hbm>>
    %dma_start3A_51 = tpu.memref_slice %arg6[%add3A_38] : memref<1600000xf32, #tpu.memory_space<hbm>> -> memref<10000xf32, #tpu.memory_space<hbm>>
    tpu.enqueue_dma source(%arg14 : memref<10000xf32, #tpu.memory_space<vmem>>) target(%dma_start3A_51 : memref<10000xf32, #tpu.memory_space<hbm>>) target_semaphore(%arg16 : memref<!tpu.dma_semaphore, #tpu.memory_space<semaphore_mem>>)
    %dma_wait3A_52 = tpu.memref_slice %arg4[%add3A_38] : memref<1600000xf32, #tpu.memory_space<hbm>> -> memref<10000xf32, #tpu.memory_space<hbm>>
    %dma_wait3A_53 = tpu.memref_slice %arg4[%add3A_38] : memref<1600000xf32, #tpu.memory_space<hbm>> -> memref<10000xf32, #tpu.memory_space<hbm>>
    tpu.wait_dma2 semaphore(%arg16 : memref<!tpu.dma_semaphore, #tpu.memory_space<semaphore_mem>>) src(%arg10 : memref<10000xf32, #tpu.memory_space<vmem>>) dst(%dma_wait3A_53 : memref<10000xf32, #tpu.memory_space<hbm>>)
    %dma_wait3A_54 = tpu.memref_slice %arg5[%add3A_38] : memref<1600000xf32, #tpu.memory_space<hbm>> -> memref<10000xf32, #tpu.memory_space<hbm>>
    %dma_wait3A_55 = tpu.memref_slice %arg5[%add3A_38] : memref<1600000xf32, #tpu.memory_space<hbm>> -> memref<10000xf32, #tpu.memory_space<hbm>>
    tpu.wait_dma2 semaphore(%arg16 : memref<!tpu.dma_semaphore, #tpu.memory_space<semaphore_mem>>) src(%arg12 : memref<10000xf32, #tpu.memory_space<vmem>>) dst(%dma_wait3A_55 : memref<10000xf32, #tpu.memory_space<hbm>>)
    %dma_wait3A_56 = tpu.memref_slice %arg6[%add3A_38] : memref<1600000xf32, #tpu.memory_space<hbm>> -> memref<10000xf32, #tpu.memory_space<hbm>>
    %dma_wait3A_57 = tpu.memref_slice %arg6[%add3A_38] : memref<1600000xf32, #tpu.memory_space<hbm>> -> memref<10000xf32, #tpu.memory_space<hbm>>
    tpu.wait_dma2 semaphore(%arg16 : memref<!tpu.dma_semaphore, #tpu.memory_space<semaphore_mem>>) src(%arg14 : memref<10000xf32, #tpu.memory_space<vmem>>) dst(%dma_wait3A_57 : memref<10000xf32, #tpu.memory_space<hbm>>)
    %add3A_58 = arith.constant 30000 : i32
    %add3A_59 = arith.addi %mul3A_2, %add3A_58 : i32
    "tpu.region"() ({
      %run_scoped3A = tpu.sem_alloc : memref<!tpu.dma_semaphore, #tpu.memory_space<semaphore_mem>>
      %dma_start3A_135 = tpu.memref_slice %arg3[%add3A_59] : memref<1600000xi32, #tpu.memory_space<hbm>> -> memref<10000xi32, #tpu.memory_space<hbm>>
      %dma_start3A_136 = tpu.memref_slice %arg3[%add3A_59] : memref<1600000xi32, #tpu.memory_space<hbm>> -> memref<10000xi32, #tpu.memory_space<hbm>>
      tpu.enqueue_dma source(%dma_start3A_136 : memref<10000xi32, #tpu.memory_space<hbm>>) target(%arg8 : memref<10000xi32, #tpu.memory_space<vmem>>) target_semaphore(%run_scoped3A : memref<!tpu.dma_semaphore, #tpu.memory_space<semaphore_mem>>)
      %dma_wait3A_137 = tpu.memref_slice %arg3[%add3A_59] : memref<1600000xi32, #tpu.memory_space<hbm>> -> memref<10000xi32, #tpu.memory_space<hbm>>
      %dma_wait3A_138 = tpu.memref_slice %arg3[%add3A_59] : memref<1600000xi32, #tpu.memory_space<hbm>> -> memref<10000xi32, #tpu.memory_space<hbm>>
      tpu.wait_dma2 semaphore(%run_scoped3A : memref<!tpu.dma_semaphore, #tpu.memory_space<semaphore_mem>>) src(%dma_wait3A_138 : memref<10000xi32, #tpu.memory_space<hbm>>) dst(%arg8 : memref<10000xi32, #tpu.memory_space<vmem>>)
      tpu.yield
    }) : () -> ()
    %dma_start3A_60 = arith.constant 0 : i32
    %dma_start3A_61 = tpu.memref_slice %arg2[%dma_start3A_60] : memref<6400000xf32, #tpu.memory_space<hbm>> -> memref<6400000xf32, #tpu.memory_space<hbm>>
    tpu.enqueue_indirect_dma source(%dma_start3A_61 : memref<6400000xf32, #tpu.memory_space<hbm>>) target(%arg10 : memref<10000xf32, #tpu.memory_space<vmem>>) offsets(%arg8 : memref<10000xi32, #tpu.memory_space<vmem>>) semaphore(%arg15 : memref<!tpu.dma_semaphore, #tpu.memory_space<semaphore_mem>>)
    %dma_wait3A_62 = arith.constant 0 : i32
    %dma_wait3A_63 = tpu.memref_slice %arg2[%dma_wait3A_62] : memref<6400000xf32, #tpu.memory_space<hbm>> -> memref<6400000xf32, #tpu.memory_space<hbm>>
    tpu.wait_indirect_dma semaphore(%arg15 : memref<!tpu.dma_semaphore, #tpu.memory_space<semaphore_mem>>) src(%dma_wait3A_63 : memref<6400000xf32, #tpu.memory_space<hbm>>) dst(%arg9 : memref<10000xf32, #tpu.memory_space<vmem>>)
    %add3A_64 = arith.constant 20000 : i32
    %add3A_65 = arith.addi %mul3A_2, %add3A_64 : i32
    %scan3A_66 = arith.constant 0 : i32
    %scan3A_67 = arith.constant 0 : i32
    %scan3A_68 = arith.constant 625 : i32
    %scan3A_69 = arith.addi %scan3A_67, %scan3A_68 : i32
    %scan3A_70 = arith.constant 1 : i32
    %scan3A_71 = scf.for %scan3A_135 = %scan3A_67 to %scan3A_69 step %scan3A_70 iter_args(%scan3A_136 = %scan3A_66) -> (i32)  : i32 {
      %mul3A_137 = arith.constant 16 : i32
      %mul3A_138 = arith.muli %scan3A_135, %mul3A_137 : i32
      %get3A = arith.index_cast %mul3A_138 : i32 to index
      %get3A_139 = tpu.vector_load %arg9[%get3A] {strides = array<i32>} : memref<10000xf32, #tpu.memory_space<vmem>>, vector<16xf32>,
      %get3A_140 = vector.shape_cast %get3A_139 : vector<16xf32> to vector<16xf32>
      %mul3A_141 = arith.constant 1.96349537 : f32
      %mul3A_142 = vector.broadcast %mul3A_141 : f32 to vector<16xf32>
      %mul3A_143 = arith.mulf %get3A_140, %mul3A_142 : vector<16xf32>
      %mul3A_144 = arith.mulf %mul3A_143, %mul3A_143 : vector<16xf32>
      %mul3A_145 = arith.constant 2.48015876E-5 : f32
      %mul3A_146 = vector.broadcast %mul3A_145 : f32 to vector<16xf32>
      %mul3A_147 = arith.mulf %mul3A_144, %mul3A_146 : vector<16xf32>
      %add3A_148 = arith.constant -0.00138888892 : f32
      %add3A_149 = vector.broadcast %add3A_148 : f32 to vector<16xf32>
      %add3A_150 = arith.addf %add3A_149, %mul3A_147 : vector<16xf32>
      %mul3A_151 = arith.mulf %mul3A_144, %add3A_150 : vector<16xf32>
      %add3A_152 = arith.constant 0.0416666679 : f32
      %add3A_153 = vector.broadcast %add3A_152 : f32 to vector<16xf32>
      %add3A_154 = arith.addf %add3A_153, %mul3A_151 : vector<16xf32>
      %mul3A_155 = arith.mulf %mul3A_144, %add3A_154 : vector<16xf32>
      %add3A_156 = arith.constant -5.000000e-01 : f32
      %add3A_157 = vector.broadcast %add3A_156 : f32 to vector<16xf32>
      %add3A_158 = arith.addf %add3A_157, %mul3A_155 : vector<16xf32>
      %mul3A_159 = arith.mulf %mul3A_144, %add3A_158 : vector<16xf32>
      %add3A_160 = arith.constant 1.000000e+00 : f32
      %add3A_161 = vector.broadcast %add3A_160 : f32 to vector<16xf32>
      %add3A_162 = arith.addf %add3A_161, %mul3A_159 : vector<16xf32>
      %mul3A_163 = arith.mulf %add3A_162, %add3A_162 : vector<16xf32>
      %lt3A = arith.constant 8.000000e-01 : f32
      %lt3A_164 = vector.broadcast %lt3A : f32 to vector<16xf32>
      %lt3A_165 = arith.cmpf olt, %get3A_140, %lt3A_164 : vector<16xf32>
      %jit3A = arith.constant 0.000000e+00 : f32
      %broadcast_in_dim3A = vector.broadcast %jit3A : f32 to vector<16xf32>
      %select_n3A = arith.select %lt3A_165, %mul3A_163, %broadcast_in_dim3A : vector<16xi1>, vector<16xf32>
      %mul3A_166 = arith.constant 16 : i32
      %mul3A_167 = arith.muli %scan3A_135, %mul3A_166 : i32
      %swap3A = arith.index_cast %mul3A_167 : i32 to index
      %swap3A_168 = tpu.vector_load %arg11[%swap3A] {strides = array<i32>} : memref<10000xf32, #tpu.memory_space<vmem>>, vector<16xf32>,
      %swap3A_169 = vector.shape_cast %swap3A_168 : vector<16xf32> to vector<16xf32>
      %swap3A_170 = vector.shape_cast %select_n3A : vector<16xf32> to vector<16xf32>
      tpu.vector_store %arg11[%swap3A], %swap3A_170 {strides = array<i32>} : memref<10000xf32, #tpu.memory_space<vmem>>, vector<16xf32>,
      %jit3A_171 = arith.constant 1.000000e+00 : f32
      %jit3A_172 = arith.constant 0.000000e+00 : f32
      %broadcast_in_dim3A_173 = vector.broadcast %jit3A_171 : f32 to vector<16xf32>
      %broadcast_in_dim3A_174 = vector.broadcast %jit3A_172 : f32 to vector<16xf32>
      %select_n3A_175 = arith.select %lt3A_165, %broadcast_in_dim3A_173, %broadcast_in_dim3A_174 : vector<16xi1>, vector<16xf32>
      %mul3A_176 = arith.constant 16 : i32
      %mul3A_177 = arith.muli %scan3A_135, %mul3A_176 : i32
      %swap3A_178 = arith.index_cast %mul3A_177 : i32 to index
      %swap3A_179 = tpu.vector_load %arg13[%swap3A_178] {strides = array<i32>} : memref<10000xf32, #tpu.memory_space<vmem>>, vector<16xf32>,
      %swap3A_180 = vector.shape_cast %swap3A_179 : vector<16xf32> to vector<16xf32>
      %swap3A_181 = vector.shape_cast %select_n3A_175 : vector<16xf32> to vector<16xf32>
      tpu.vector_store %arg13[%swap3A_178], %swap3A_181 {strides = array<i32>} : memref<10000xf32, #tpu.memory_space<vmem>>, vector<16xf32>,
      %scan3A_182 = arith.constant 0 : i32
      scf.yield %scan3A_182 : i32
    }
    %scan3A_72 = arith.constant 625 : i32
    %dma_start3A_73 = tpu.memref_slice %arg4[%add3A_65] : memref<1600000xf32, #tpu.memory_space<hbm>> -> memref<10000xf32, #tpu.memory_space<hbm>>
    %dma_start3A_74 = tpu.memref_slice %arg4[%add3A_65] : memref<1600000xf32, #tpu.memory_space<hbm>> -> memref<10000xf32, #tpu.memory_space<hbm>>
    tpu.enqueue_dma source(%arg9 : memref<10000xf32, #tpu.memory_space<vmem>>) target(%dma_start3A_74 : memref<10000xf32, #tpu.memory_space<hbm>>) target_semaphore(%arg16 : memref<!tpu.dma_semaphore, #tpu.memory_space<semaphore_mem>>)
    %dma_start3A_75 = tpu.memref_slice %arg5[%add3A_65] : memref<1600000xf32, #tpu.memory_space<hbm>> -> memref<10000xf32, #tpu.memory_space<hbm>>
    %dma_start3A_76 = tpu.memref_slice %arg5[%add3A_65] : memref<1600000xf32, #tpu.memory_space<hbm>> -> memref<10000xf32, #tpu.memory_space<hbm>>
    tpu.enqueue_dma source(%arg11 : memref<10000xf32, #tpu.memory_space<vmem>>) target(%dma_start3A_76 : memref<10000xf32, #tpu.memory_space<hbm>>) target_semaphore(%arg16 : memref<!tpu.dma_semaphore, #tpu.memory_space<semaphore_mem>>)
    %dma_start3A_77 = tpu.memref_slice %arg6[%add3A_65] : memref<1600000xf32, #tpu.memory_space<hbm>> -> memref<10000xf32, #tpu.memory_space<hbm>>
    %dma_start3A_78 = tpu.memref_slice %arg6[%add3A_65] : memref<1600000xf32, #tpu.memory_space<hbm>> -> memref<10000xf32, #tpu.memory_space<hbm>>
    tpu.enqueue_dma source(%arg13 : memref<10000xf32, #tpu.memory_space<vmem>>) target(%dma_start3A_78 : memref<10000xf32, #tpu.memory_space<hbm>>) target_semaphore(%arg16 : memref<!tpu.dma_semaphore, #tpu.memory_space<semaphore_mem>>)
    %dma_wait3A_79 = tpu.memref_slice %arg4[%add3A_65] : memref<1600000xf32, #tpu.memory_space<hbm>> -> memref<10000xf32, #tpu.memory_space<hbm>>
    %dma_wait3A_80 = tpu.memref_slice %arg4[%add3A_65] : memref<1600000xf32, #tpu.memory_space<hbm>> -> memref<10000xf32, #tpu.memory_space<hbm>>
    tpu.wait_dma2 semaphore(%arg16 : memref<!tpu.dma_semaphore, #tpu.memory_space<semaphore_mem>>) src(%arg9 : memref<10000xf32, #tpu.memory_space<vmem>>) dst(%dma_wait3A_80 : memref<10000xf32, #tpu.memory_space<hbm>>)
    %dma_wait3A_81 = tpu.memref_slice %arg5[%add3A_65] : memref<1600000xf32, #tpu.memory_space<hbm>> -> memref<10000xf32, #tpu.memory_space<hbm>>
    %dma_wait3A_82 = tpu.memref_slice %arg5[%add3A_65] : memref<1600000xf32, #tpu.memory_space<hbm>> -> memref<10000xf32, #tpu.memory_space<hbm>>
    tpu.wait_dma2 semaphore(%arg16 : memref<!tpu.dma_semaphore, #tpu.memory_space<semaphore_mem>>) src(%arg11 : memref<10000xf32, #tpu.memory_space<vmem>>) dst(%dma_wait3A_82 : memref<10000xf32, #tpu.memory_space<hbm>>)
    %dma_wait3A_83 = tpu.memref_slice %arg6[%add3A_65] : memref<1600000xf32, #tpu.memory_space<hbm>> -> memref<10000xf32, #tpu.memory_space<hbm>>
    %dma_wait3A_84 = tpu.memref_slice %arg6[%add3A_65] : memref<1600000xf32, #tpu.memory_space<hbm>> -> memref<10000xf32, #tpu.memory_space<hbm>>
    tpu.wait_dma2 semaphore(%arg16 : memref<!tpu.dma_semaphore, #tpu.memory_space<semaphore_mem>>) src(%arg13 : memref<10000xf32, #tpu.memory_space<vmem>>) dst(%dma_wait3A_84 : memref<10000xf32, #tpu.memory_space<hbm>>)
    %add3A_85 = arith.constant 40000 : i32
    %add3A_86 = arith.addi %mul3A_2, %add3A_85 : i32
    "tpu.region"() ({
      %run_scoped3A = tpu.sem_alloc : memref<!tpu.dma_semaphore, #tpu.memory_space<semaphore_mem>>
      %dma_start3A_135 = tpu.memref_slice %arg3[%add3A_86] : memref<1600000xi32, #tpu.memory_space<hbm>> -> memref<10000xi32, #tpu.memory_space<hbm>>
      %dma_start3A_136 = tpu.memref_slice %arg3[%add3A_86] : memref<1600000xi32, #tpu.memory_space<hbm>> -> memref<10000xi32, #tpu.memory_space<hbm>>
      tpu.enqueue_dma source(%dma_start3A_136 : memref<10000xi32, #tpu.memory_space<hbm>>) target(%arg7 : memref<10000xi32, #tpu.memory_space<vmem>>) target_semaphore(%run_scoped3A : memref<!tpu.dma_semaphore, #tpu.memory_space<semaphore_mem>>)
      %dma_wait3A_137 = tpu.memref_slice %arg3[%add3A_86] : memref<1600000xi32, #tpu.memory_space<hbm>> -> memref<10000xi32, #tpu.memory_space<hbm>>
      %dma_wait3A_138 = tpu.memref_slice %arg3[%add3A_86] : memref<1600000xi32, #tpu.memory_space<hbm>> -> memref<10000xi32, #tpu.memory_space<hbm>>
      tpu.wait_dma2 semaphore(%run_scoped3A : memref<!tpu.dma_semaphore, #tpu.memory_space<semaphore_mem>>) src(%dma_wait3A_138 : memref<10000xi32, #tpu.memory_space<hbm>>) dst(%arg7 : memref<10000xi32, #tpu.memory_space<vmem>>)
      tpu.yield
    }) : () -> ()
    %dma_start3A_87 = arith.constant 0 : i32
    %dma_start3A_88 = tpu.memref_slice %arg2[%dma_start3A_87] : memref<6400000xf32, #tpu.memory_space<hbm>> -> memref<6400000xf32, #tpu.memory_space<hbm>>
    tpu.enqueue_indirect_dma source(%dma_start3A_88 : memref<6400000xf32, #tpu.memory_space<hbm>>) target(%arg9 : memref<10000xf32, #tpu.memory_space<vmem>>) offsets(%arg7 : memref<10000xi32, #tpu.memory_space<vmem>>) semaphore(%arg15 : memref<!tpu.dma_semaphore, #tpu.memory_space<semaphore_mem>>)
    %dma_wait3A_89 = arith.constant 0 : i32
    %dma_wait3A_90 = tpu.memref_slice %arg2[%dma_wait3A_89] : memref<6400000xf32, #tpu.memory_space<hbm>> -> memref<6400000xf32, #tpu.memory_space<hbm>>
    tpu.wait_indirect_dma semaphore(%arg15 : memref<!tpu.dma_semaphore, #tpu.memory_space<semaphore_mem>>) src(%dma_wait3A_90 : memref<6400000xf32, #tpu.memory_space<hbm>>) dst(%arg10 : memref<10000xf32, #tpu.memory_space<vmem>>)
    %add3A_91 = arith.constant 30000 : i32
    %add3A_92 = arith.addi %mul3A_2, %add3A_91 : i32
    %scan3A_93 = arith.constant 0 : i32
    %scan3A_94 = arith.constant 0 : i32
    %scan3A_95 = arith.constant 625 : i32
    %scan3A_96 = arith.addi %scan3A_94, %scan3A_95 : i32
    %scan3A_97 = arith.constant 1 : i32
    %scan3A_98 = scf.for %scan3A_135 = %scan3A_94 to %scan3A_96 step %scan3A_97 iter_args(%scan3A_136 = %scan3A_93) -> (i32)  : i32 {
      %mul3A_137 = arith.constant 16 : i32
      %mul3A_138 = arith.muli %scan3A_135, %mul3A_137 : i32
      %get3A = arith.index_cast %mul3A_138 : i32 to index
      %get3A_139 = tpu.vector_load %arg10[%get3A] {strides = array<i32>} : memref<10000xf32, #tpu.memory_space<vmem>>, vector<16xf32>,
      %get3A_140 = vector.shape_cast %get3A_139 : vector<16xf32> to vector<16xf32>
      %mul3A_141 = arith.constant 1.96349537 : f32
      %mul3A_142 = vector.broadcast %mul3A_141 : f32 to vector<16xf32>
      %mul3A_143 = arith.mulf %get3A_140, %mul3A_142 : vector<16xf32>
      %mul3A_144 = arith.mulf %mul3A_143, %mul3A_143 : vector<16xf32>
      %mul3A_145 = arith.constant 2.48015876E-5 : f32
      %mul3A_146 = vector.broadcast %mul3A_145 : f32 to vector<16xf32>
      %mul3A_147 = arith.mulf %mul3A_144, %mul3A_146 : vector<16xf32>
      %add3A_148 = arith.constant -0.00138888892 : f32
      %add3A_149 = vector.broadcast %add3A_148 : f32 to vector<16xf32>
      %add3A_150 = arith.addf %add3A_149, %mul3A_147 : vector<16xf32>
      %mul3A_151 = arith.mulf %mul3A_144, %add3A_150 : vector<16xf32>
      %add3A_152 = arith.constant 0.0416666679 : f32
      %add3A_153 = vector.broadcast %add3A_152 : f32 to vector<16xf32>
      %add3A_154 = arith.addf %add3A_153, %mul3A_151 : vector<16xf32>
      %mul3A_155 = arith.mulf %mul3A_144, %add3A_154 : vector<16xf32>
      %add3A_156 = arith.constant -5.000000e-01 : f32
      %add3A_157 = vector.broadcast %add3A_156 : f32 to vector<16xf32>
      %add3A_158 = arith.addf %add3A_157, %mul3A_155 : vector<16xf32>
      %mul3A_159 = arith.mulf %mul3A_144, %add3A_158 : vector<16xf32>
      %add3A_160 = arith.constant 1.000000e+00 : f32
      %add3A_161 = vector.broadcast %add3A_160 : f32 to vector<16xf32>
      %add3A_162 = arith.addf %add3A_161, %mul3A_159 : vector<16xf32>
      %mul3A_163 = arith.mulf %add3A_162, %add3A_162 : vector<16xf32>
      %lt3A = arith.constant 8.000000e-01 : f32
      %lt3A_164 = vector.broadcast %lt3A : f32 to vector<16xf32>
      %lt3A_165 = arith.cmpf olt, %get3A_140, %lt3A_164 : vector<16xf32>
      %jit3A = arith.constant 0.000000e+00 : f32
      %broadcast_in_dim3A = vector.broadcast %jit3A : f32 to vector<16xf32>
      %select_n3A = arith.select %lt3A_165, %mul3A_163, %broadcast_in_dim3A : vector<16xi1>, vector<16xf32>
      %mul3A_166 = arith.constant 16 : i32
      %mul3A_167 = arith.muli %scan3A_135, %mul3A_166 : i32
      %swap3A = arith.index_cast %mul3A_167 : i32 to index
      %swap3A_168 = tpu.vector_load %arg12[%swap3A] {strides = array<i32>} : memref<10000xf32, #tpu.memory_space<vmem>>, vector<16xf32>,
      %swap3A_169 = vector.shape_cast %swap3A_168 : vector<16xf32> to vector<16xf32>
      %swap3A_170 = vector.shape_cast %select_n3A : vector<16xf32> to vector<16xf32>
      tpu.vector_store %arg12[%swap3A], %swap3A_170 {strides = array<i32>} : memref<10000xf32, #tpu.memory_space<vmem>>, vector<16xf32>,
      %jit3A_171 = arith.constant 1.000000e+00 : f32
      %jit3A_172 = arith.constant 0.000000e+00 : f32
      %broadcast_in_dim3A_173 = vector.broadcast %jit3A_171 : f32 to vector<16xf32>
      %broadcast_in_dim3A_174 = vector.broadcast %jit3A_172 : f32 to vector<16xf32>
      %select_n3A_175 = arith.select %lt3A_165, %broadcast_in_dim3A_173, %broadcast_in_dim3A_174 : vector<16xi1>, vector<16xf32>
      %mul3A_176 = arith.constant 16 : i32
      %mul3A_177 = arith.muli %scan3A_135, %mul3A_176 : i32
      %swap3A_178 = arith.index_cast %mul3A_177 : i32 to index
      %swap3A_179 = tpu.vector_load %arg14[%swap3A_178] {strides = array<i32>} : memref<10000xf32, #tpu.memory_space<vmem>>, vector<16xf32>,
      %swap3A_180 = vector.shape_cast %swap3A_179 : vector<16xf32> to vector<16xf32>
      %swap3A_181 = vector.shape_cast %select_n3A_175 : vector<16xf32> to vector<16xf32>
      tpu.vector_store %arg14[%swap3A_178], %swap3A_181 {strides = array<i32>} : memref<10000xf32, #tpu.memory_space<vmem>>, vector<16xf32>,
      %scan3A_182 = arith.constant 0 : i32
      scf.yield %scan3A_182 : i32
    }
    %scan3A_99 = arith.constant 625 : i32
    %dma_start3A_100 = tpu.memref_slice %arg4[%add3A_92] : memref<1600000xf32, #tpu.memory_space<hbm>> -> memref<10000xf32, #tpu.memory_space<hbm>>
    %dma_start3A_101 = tpu.memref_slice %arg4[%add3A_92] : memref<1600000xf32, #tpu.memory_space<hbm>> -> memref<10000xf32, #tpu.memory_space<hbm>>
    tpu.enqueue_dma source(%arg10 : memref<10000xf32, #tpu.memory_space<vmem>>) target(%dma_start3A_101 : memref<10000xf32, #tpu.memory_space<hbm>>) target_semaphore(%arg16 : memref<!tpu.dma_semaphore, #tpu.memory_space<semaphore_mem>>)
    %dma_start3A_102 = tpu.memref_slice %arg5[%add3A_92] : memref<1600000xf32, #tpu.memory_space<hbm>> -> memref<10000xf32, #tpu.memory_space<hbm>>
    %dma_start3A_103 = tpu.memref_slice %arg5[%add3A_92] : memref<1600000xf32, #tpu.memory_space<hbm>> -> memref<10000xf32, #tpu.memory_space<hbm>>
    tpu.enqueue_dma source(%arg12 : memref<10000xf32, #tpu.memory_space<vmem>>) target(%dma_start3A_103 : memref<10000xf32, #tpu.memory_space<hbm>>) target_semaphore(%arg16 : memref<!tpu.dma_semaphore, #tpu.memory_space<semaphore_mem>>)
    %dma_start3A_104 = tpu.memref_slice %arg6[%add3A_92] : memref<1600000xf32, #tpu.memory_space<hbm>> -> memref<10000xf32, #tpu.memory_space<hbm>>
    %dma_start3A_105 = tpu.memref_slice %arg6[%add3A_92] : memref<1600000xf32, #tpu.memory_space<hbm>> -> memref<10000xf32, #tpu.memory_space<hbm>>
    tpu.enqueue_dma source(%arg14 : memref<10000xf32, #tpu.memory_space<vmem>>) target(%dma_start3A_105 : memref<10000xf32, #tpu.memory_space<hbm>>) target_semaphore(%arg16 : memref<!tpu.dma_semaphore, #tpu.memory_space<semaphore_mem>>)
    %dma_wait3A_106 = arith.constant 0 : i32
    %dma_wait3A_107 = tpu.memref_slice %arg2[%dma_wait3A_106] : memref<6400000xf32, #tpu.memory_space<hbm>> -> memref<6400000xf32, #tpu.memory_space<hbm>>
    tpu.wait_indirect_dma semaphore(%arg15 : memref<!tpu.dma_semaphore, #tpu.memory_space<semaphore_mem>>) src(%dma_wait3A_107 : memref<6400000xf32, #tpu.memory_space<hbm>>) dst(%arg9 : memref<10000xf32, #tpu.memory_space<vmem>>)
    %add3A_108 = arith.constant 40000 : i32
    %add3A_109 = arith.addi %mul3A_2, %add3A_108 : i32
    %scan3A_110 = arith.constant 0 : i32
    %scan3A_111 = arith.constant 0 : i32
    %scan3A_112 = arith.constant 625 : i32
    %scan3A_113 = arith.addi %scan3A_111, %scan3A_112 : i32
    %scan3A_114 = arith.constant 1 : i32
    %scan3A_115 = scf.for %scan3A_135 = %scan3A_111 to %scan3A_113 step %scan3A_114 iter_args(%scan3A_136 = %scan3A_110) -> (i32)  : i32 {
      %mul3A_137 = arith.constant 16 : i32
      %mul3A_138 = arith.muli %scan3A_135, %mul3A_137 : i32
      %get3A = arith.index_cast %mul3A_138 : i32 to index
      %get3A_139 = tpu.vector_load %arg9[%get3A] {strides = array<i32>} : memref<10000xf32, #tpu.memory_space<vmem>>, vector<16xf32>,
      %get3A_140 = vector.shape_cast %get3A_139 : vector<16xf32> to vector<16xf32>
      %mul3A_141 = arith.constant 1.96349537 : f32
      %mul3A_142 = vector.broadcast %mul3A_141 : f32 to vector<16xf32>
      %mul3A_143 = arith.mulf %get3A_140, %mul3A_142 : vector<16xf32>
      %mul3A_144 = arith.mulf %mul3A_143, %mul3A_143 : vector<16xf32>
      %mul3A_145 = arith.constant 2.48015876E-5 : f32
      %mul3A_146 = vector.broadcast %mul3A_145 : f32 to vector<16xf32>
      %mul3A_147 = arith.mulf %mul3A_144, %mul3A_146 : vector<16xf32>
      %add3A_148 = arith.constant -0.00138888892 : f32
      %add3A_149 = vector.broadcast %add3A_148 : f32 to vector<16xf32>
      %add3A_150 = arith.addf %add3A_149, %mul3A_147 : vector<16xf32>
      %mul3A_151 = arith.mulf %mul3A_144, %add3A_150 : vector<16xf32>
      %add3A_152 = arith.constant 0.0416666679 : f32
      %add3A_153 = vector.broadcast %add3A_152 : f32 to vector<16xf32>
      %add3A_154 = arith.addf %add3A_153, %mul3A_151 : vector<16xf32>
      %mul3A_155 = arith.mulf %mul3A_144, %add3A_154 : vector<16xf32>
      %add3A_156 = arith.constant -5.000000e-01 : f32
      %add3A_157 = vector.broadcast %add3A_156 : f32 to vector<16xf32>
      %add3A_158 = arith.addf %add3A_157, %mul3A_155 : vector<16xf32>
      %mul3A_159 = arith.mulf %mul3A_144, %add3A_158 : vector<16xf32>
      %add3A_160 = arith.constant 1.000000e+00 : f32
      %add3A_161 = vector.broadcast %add3A_160 : f32 to vector<16xf32>
      %add3A_162 = arith.addf %add3A_161, %mul3A_159 : vector<16xf32>
      %mul3A_163 = arith.mulf %add3A_162, %add3A_162 : vector<16xf32>
      %lt3A = arith.constant 8.000000e-01 : f32
      %lt3A_164 = vector.broadcast %lt3A : f32 to vector<16xf32>
      %lt3A_165 = arith.cmpf olt, %get3A_140, %lt3A_164 : vector<16xf32>
      %jit3A = arith.constant 0.000000e+00 : f32
      %broadcast_in_dim3A = vector.broadcast %jit3A : f32 to vector<16xf32>
      %select_n3A = arith.select %lt3A_165, %mul3A_163, %broadcast_in_dim3A : vector<16xi1>, vector<16xf32>
      %mul3A_166 = arith.constant 16 : i32
      %mul3A_167 = arith.muli %scan3A_135, %mul3A_166 : i32
      %swap3A = arith.index_cast %mul3A_167 : i32 to index
      %swap3A_168 = tpu.vector_load %arg11[%swap3A] {strides = array<i32>} : memref<10000xf32, #tpu.memory_space<vmem>>, vector<16xf32>,
      %swap3A_169 = vector.shape_cast %swap3A_168 : vector<16xf32> to vector<16xf32>
      %swap3A_170 = vector.shape_cast %select_n3A : vector<16xf32> to vector<16xf32>
      tpu.vector_store %arg11[%swap3A], %swap3A_170 {strides = array<i32>} : memref<10000xf32, #tpu.memory_space<vmem>>, vector<16xf32>,
      %jit3A_171 = arith.constant 1.000000e+00 : f32
      %jit3A_172 = arith.constant 0.000000e+00 : f32
      %broadcast_in_dim3A_173 = vector.broadcast %jit3A_171 : f32 to vector<16xf32>
      %broadcast_in_dim3A_174 = vector.broadcast %jit3A_172 : f32 to vector<16xf32>
      %select_n3A_175 = arith.select %lt3A_165, %broadcast_in_dim3A_173, %broadcast_in_dim3A_174 : vector<16xi1>, vector<16xf32>
      %mul3A_176 = arith.constant 16 : i32
      %mul3A_177 = arith.muli %scan3A_135, %mul3A_176 : i32
      %swap3A_178 = arith.index_cast %mul3A_177 : i32 to index
      %swap3A_179 = tpu.vector_load %arg13[%swap3A_178] {strides = array<i32>} : memref<10000xf32, #tpu.memory_space<vmem>>, vector<16xf32>,
      %swap3A_180 = vector.shape_cast %swap3A_179 : vector<16xf32> to vector<16xf32>
      %swap3A_181 = vector.shape_cast %select_n3A_175 : vector<16xf32> to vector<16xf32>
      tpu.vector_store %arg13[%swap3A_178], %swap3A_181 {strides = array<i32>} : memref<10000xf32, #tpu.memory_space<vmem>>, vector<16xf32>,
      %scan3A_182 = arith.constant 0 : i32
      scf.yield %scan3A_182 : i32
    }
    %scan3A_116 = arith.constant 625 : i32
    %dma_start3A_117 = tpu.memref_slice %arg4[%add3A_109] : memref<1600000xf32, #tpu.memory_space<hbm>> -> memref<10000xf32, #tpu.memory_space<hbm>>
    %dma_start3A_118 = tpu.memref_slice %arg4[%add3A_109] : memref<1600000xf32, #tpu.memory_space<hbm>> -> memref<10000xf32, #tpu.memory_space<hbm>>
    tpu.enqueue_dma source(%arg9 : memref<10000xf32, #tpu.memory_space<vmem>>) target(%dma_start3A_118 : memref<10000xf32, #tpu.memory_space<hbm>>) target_semaphore(%arg16 : memref<!tpu.dma_semaphore, #tpu.memory_space<semaphore_mem>>)
    %dma_start3A_119 = tpu.memref_slice %arg5[%add3A_109] : memref<1600000xf32, #tpu.memory_space<hbm>> -> memref<10000xf32, #tpu.memory_space<hbm>>
    %dma_start3A_120 = tpu.memref_slice %arg5[%add3A_109] : memref<1600000xf32, #tpu.memory_space<hbm>> -> memref<10000xf32, #tpu.memory_space<hbm>>
    tpu.enqueue_dma source(%arg11 : memref<10000xf32, #tpu.memory_space<vmem>>) target(%dma_start3A_120 : memref<10000xf32, #tpu.memory_space<hbm>>) target_semaphore(%arg16 : memref<!tpu.dma_semaphore, #tpu.memory_space<semaphore_mem>>)
    %dma_start3A_121 = tpu.memref_slice %arg6[%add3A_109] : memref<1600000xf32, #tpu.memory_space<hbm>> -> memref<10000xf32, #tpu.memory_space<hbm>>
    %dma_start3A_122 = tpu.memref_slice %arg6[%add3A_109] : memref<1600000xf32, #tpu.memory_space<hbm>> -> memref<10000xf32, #tpu.memory_space<hbm>>
    tpu.enqueue_dma source(%arg13 : memref<10000xf32, #tpu.memory_space<vmem>>) target(%dma_start3A_122 : memref<10000xf32, #tpu.memory_space<hbm>>) target_semaphore(%arg16 : memref<!tpu.dma_semaphore, #tpu.memory_space<semaphore_mem>>)
    %dma_wait3A_123 = tpu.memref_slice %arg4[%add3A_109] : memref<1600000xf32, #tpu.memory_space<hbm>> -> memref<10000xf32, #tpu.memory_space<hbm>>
    %dma_wait3A_124 = tpu.memref_slice %arg4[%add3A_109] : memref<1600000xf32, #tpu.memory_space<hbm>> -> memref<10000xf32, #tpu.memory_space<hbm>>
    tpu.wait_dma2 semaphore(%arg16 : memref<!tpu.dma_semaphore, #tpu.memory_space<semaphore_mem>>) src(%arg9 : memref<10000xf32, #tpu.memory_space<vmem>>) dst(%dma_wait3A_124 : memref<10000xf32, #tpu.memory_space<hbm>>)
    %dma_wait3A_125 = tpu.memref_slice %arg5[%add3A_109] : memref<1600000xf32, #tpu.memory_space<hbm>> -> memref<10000xf32, #tpu.memory_space<hbm>>
    %dma_wait3A_126 = tpu.memref_slice %arg5[%add3A_109] : memref<1600000xf32, #tpu.memory_space<hbm>> -> memref<10000xf32, #tpu.memory_space<hbm>>
    tpu.wait_dma2 semaphore(%arg16 : memref<!tpu.dma_semaphore, #tpu.memory_space<semaphore_mem>>) src(%arg11 : memref<10000xf32, #tpu.memory_space<vmem>>) dst(%dma_wait3A_126 : memref<10000xf32, #tpu.memory_space<hbm>>)
    %dma_wait3A_127 = tpu.memref_slice %arg6[%add3A_109] : memref<1600000xf32, #tpu.memory_space<hbm>> -> memref<10000xf32, #tpu.memory_space<hbm>>
    %dma_wait3A_128 = tpu.memref_slice %arg6[%add3A_109] : memref<1600000xf32, #tpu.memory_space<hbm>> -> memref<10000xf32, #tpu.memory_space<hbm>>
    tpu.wait_dma2 semaphore(%arg16 : memref<!tpu.dma_semaphore, #tpu.memory_space<semaphore_mem>>) src(%arg13 : memref<10000xf32, #tpu.memory_space<vmem>>) dst(%dma_wait3A_128 : memref<10000xf32, #tpu.memory_space<hbm>>)
    %dma_wait3A_129 = tpu.memref_slice %arg4[%add3A_92] : memref<1600000xf32, #tpu.memory_space<hbm>> -> memref<10000xf32, #tpu.memory_space<hbm>>
    %dma_wait3A_130 = tpu.memref_slice %arg4[%add3A_92] : memref<1600000xf32, #tpu.memory_space<hbm>> -> memref<10000xf32, #tpu.memory_space<hbm>>
    tpu.wait_dma2 semaphore(%arg16 : memref<!tpu.dma_semaphore, #tpu.memory_space<semaphore_mem>>) src(%arg10 : memref<10000xf32, #tpu.memory_space<vmem>>) dst(%dma_wait3A_130 : memref<10000xf32, #tpu.memory_space<hbm>>)
    %dma_wait3A_131 = tpu.memref_slice %arg5[%add3A_92] : memref<1600000xf32, #tpu.memory_space<hbm>> -> memref<10000xf32, #tpu.memory_space<hbm>>
    %dma_wait3A_132 = tpu.memref_slice %arg5[%add3A_92] : memref<1600000xf32, #tpu.memory_space<hbm>> -> memref<10000xf32, #tpu.memory_space<hbm>>
    tpu.wait_dma2 semaphore(%arg16 : memref<!tpu.dma_semaphore, #tpu.memory_space<semaphore_mem>>) src(%arg12 : memref<10000xf32, #tpu.memory_space<vmem>>) dst(%dma_wait3A_132 : memref<10000xf32, #tpu.memory_space<hbm>>)
    %dma_wait3A_133 = tpu.memref_slice %arg6[%add3A_92] : memref<1600000xf32, #tpu.memory_space<hbm>> -> memref<10000xf32, #tpu.memory_space<hbm>>
    %dma_wait3A_134 = tpu.memref_slice %arg6[%add3A_92] : memref<1600000xf32, #tpu.memory_space<hbm>> -> memref<10000xf32, #tpu.memory_space<hbm>>
    tpu.wait_dma2 semaphore(%arg16 : memref<!tpu.dma_semaphore, #tpu.memory_space<semaphore_mem>>) src(%arg14 : memref<10000xf32, #tpu.memory_space<vmem>>) dst(%dma_wait3A_134 : memref<10000xf32, #tpu.memory_space<hbm>>)
    return
  }
}

#map = affine_map<(d0, d1) -> (0)>
module attributes {stable_mosaic.version = 14 : i64} {
  func.func @_sc_vec_body(%arg0: i32, %arg1: i32, %arg2: memref<6400000xf32, #tpu.memory_space<hbm>>, %arg3: memref<6400000xf32, #tpu.memory_space<hbm>>, %arg4: memref<6400000xf32, #tpu.memory_space<hbm>>, %arg5: memref<1600000xi32, #tpu.memory_space<hbm>>, %arg6: memref<1600000xf32, #tpu.memory_space<hbm>>, %arg7: memref<1600000xf32, #tpu.memory_space<hbm>>, %arg8: memref<1600000xf32, #tpu.memory_space<hbm>>, %arg9: memref<10000xi32, #tpu.memory_space<vmem>>, %arg10: memref<10000xi32, #tpu.memory_space<vmem>>, %arg11: memref<10000xf32, #tpu.memory_space<vmem>>, %arg12: memref<10000xf32, #tpu.memory_space<vmem>>, %arg13: memref<10000xf32, #tpu.memory_space<vmem>>, %arg14: memref<10000xf32, #tpu.memory_space<vmem>>, %arg15: memref<10000xf32, #tpu.memory_space<vmem>>, %arg16: memref<10000xf32, #tpu.memory_space<vmem>>, %arg17: memref<!tpu.dma_semaphore, #tpu.memory_space<semaphore_mem>>, %arg18: memref<!tpu.dma_semaphore, #tpu.memory_space<semaphore_mem>>) attributes {dimension_semantics = [#tpu.dimension_semantics<core_parallel>, #tpu.dimension_semantics<subcore_parallel>], iteration_bounds = array<i64: 2, 16>, scalar_prefetch = 0 : i64, scratch_operands = 10 : i64, tpu.core_type = #tpu.core_type<sc_vector_subcore>, window_params = [{transform_indices = #map}, {transform_indices = #map}, {transform_indices = #map}, {transform_indices = #map}, {transform_indices = #map}, {transform_indices = #map}, {transform_indices = #map}]} {
    %mul3A = arith.constant 2 : i32
    %mul3A_0 = arith.muli %arg1, %mul3A : i32
    %add3A = arith.addi %mul3A_0, %arg0 : i32
    %mul3A_1 = arith.constant 50000 : i32
    %mul3A_2 = arith.muli %add3A, %mul3A_1 : i32
    %add3A_3 = arith.constant 0 : i32
    %add3A_4 = arith.addi %mul3A_2, %add3A_3 : i32
    "tpu.region"() ({
      %run_scoped3A = tpu.sem_alloc : memref<!tpu.dma_semaphore, #tpu.memory_space<semaphore_mem>>
      %dma_start3A_129 = tpu.memref_slice %arg5[%add3A_4] : memref<1600000xi32, #tpu.memory_space<hbm>> -> memref<10000xi32, #tpu.memory_space<hbm>>
      %dma_start3A_130 = tpu.memref_slice %arg5[%add3A_4] : memref<1600000xi32, #tpu.memory_space<hbm>> -> memref<10000xi32, #tpu.memory_space<hbm>>
      tpu.enqueue_dma source(%dma_start3A_130 : memref<10000xi32, #tpu.memory_space<hbm>>) target(%arg9 : memref<10000xi32, #tpu.memory_space<vmem>>) target_semaphore(%run_scoped3A : memref<!tpu.dma_semaphore, #tpu.memory_space<semaphore_mem>>)
      %dma_wait3A_131 = tpu.memref_slice %arg5[%add3A_4] : memref<1600000xi32, #tpu.memory_space<hbm>> -> memref<10000xi32, #tpu.memory_space<hbm>>
      %dma_wait3A_132 = tpu.memref_slice %arg5[%add3A_4] : memref<1600000xi32, #tpu.memory_space<hbm>> -> memref<10000xi32, #tpu.memory_space<hbm>>
      tpu.wait_dma2 semaphore(%run_scoped3A : memref<!tpu.dma_semaphore, #tpu.memory_space<semaphore_mem>>) src(%dma_wait3A_132 : memref<10000xi32, #tpu.memory_space<hbm>>) dst(%arg9 : memref<10000xi32, #tpu.memory_space<vmem>>)
      tpu.yield
    }) : () -> ()
    %dma_start3A = arith.constant 0 : i32
    %dma_start3A_5 = tpu.memref_slice %arg2[%dma_start3A] : memref<6400000xf32, #tpu.memory_space<hbm>> -> memref<6400000xf32, #tpu.memory_space<hbm>>
    tpu.enqueue_indirect_dma source(%dma_start3A_5 : memref<6400000xf32, #tpu.memory_space<hbm>>) target(%arg11 : memref<10000xf32, #tpu.memory_space<vmem>>) offsets(%arg9 : memref<10000xi32, #tpu.memory_space<vmem>>) semaphore(%arg17 : memref<!tpu.dma_semaphore, #tpu.memory_space<semaphore_mem>>)
    %dma_start3A_6 = arith.constant 0 : i32
    %dma_start3A_7 = tpu.memref_slice %arg3[%dma_start3A_6] : memref<6400000xf32, #tpu.memory_space<hbm>> -> memref<6400000xf32, #tpu.memory_space<hbm>>
    tpu.enqueue_indirect_dma source(%dma_start3A_7 : memref<6400000xf32, #tpu.memory_space<hbm>>) target(%arg13 : memref<10000xf32, #tpu.memory_space<vmem>>) offsets(%arg9 : memref<10000xi32, #tpu.memory_space<vmem>>) semaphore(%arg17 : memref<!tpu.dma_semaphore, #tpu.memory_space<semaphore_mem>>)
    %dma_start3A_8 = arith.constant 0 : i32
    %dma_start3A_9 = tpu.memref_slice %arg4[%dma_start3A_8] : memref<6400000xf32, #tpu.memory_space<hbm>> -> memref<6400000xf32, #tpu.memory_space<hbm>>
    tpu.enqueue_indirect_dma source(%dma_start3A_9 : memref<6400000xf32, #tpu.memory_space<hbm>>) target(%arg15 : memref<10000xf32, #tpu.memory_space<vmem>>) offsets(%arg9 : memref<10000xi32, #tpu.memory_space<vmem>>) semaphore(%arg17 : memref<!tpu.dma_semaphore, #tpu.memory_space<semaphore_mem>>)
    %add3A_10 = arith.constant 10000 : i32
    %add3A_11 = arith.addi %mul3A_2, %add3A_10 : i32
    "tpu.region"() ({
      %run_scoped3A = tpu.sem_alloc : memref<!tpu.dma_semaphore, #tpu.memory_space<semaphore_mem>>
      %dma_start3A_129 = tpu.memref_slice %arg5[%add3A_11] : memref<1600000xi32, #tpu.memory_space<hbm>> -> memref<10000xi32, #tpu.memory_space<hbm>>
      %dma_start3A_130 = tpu.memref_slice %arg5[%add3A_11] : memref<1600000xi32, #tpu.memory_space<hbm>> -> memref<10000xi32, #tpu.memory_space<hbm>>
      tpu.enqueue_dma source(%dma_start3A_130 : memref<10000xi32, #tpu.memory_space<hbm>>) target(%arg10 : memref<10000xi32, #tpu.memory_space<vmem>>) target_semaphore(%run_scoped3A : memref<!tpu.dma_semaphore, #tpu.memory_space<semaphore_mem>>)
      %dma_wait3A_131 = tpu.memref_slice %arg5[%add3A_11] : memref<1600000xi32, #tpu.memory_space<hbm>> -> memref<10000xi32, #tpu.memory_space<hbm>>
      %dma_wait3A_132 = tpu.memref_slice %arg5[%add3A_11] : memref<1600000xi32, #tpu.memory_space<hbm>> -> memref<10000xi32, #tpu.memory_space<hbm>>
      tpu.wait_dma2 semaphore(%run_scoped3A : memref<!tpu.dma_semaphore, #tpu.memory_space<semaphore_mem>>) src(%dma_wait3A_132 : memref<10000xi32, #tpu.memory_space<hbm>>) dst(%arg10 : memref<10000xi32, #tpu.memory_space<vmem>>)
      tpu.yield
    }) : () -> ()
    %dma_start3A_12 = arith.constant 0 : i32
    %dma_start3A_13 = tpu.memref_slice %arg2[%dma_start3A_12] : memref<6400000xf32, #tpu.memory_space<hbm>> -> memref<6400000xf32, #tpu.memory_space<hbm>>
    tpu.enqueue_indirect_dma source(%dma_start3A_13 : memref<6400000xf32, #tpu.memory_space<hbm>>) target(%arg12 : memref<10000xf32, #tpu.memory_space<vmem>>) offsets(%arg10 : memref<10000xi32, #tpu.memory_space<vmem>>) semaphore(%arg17 : memref<!tpu.dma_semaphore, #tpu.memory_space<semaphore_mem>>)
    %dma_start3A_14 = arith.constant 0 : i32
    %dma_start3A_15 = tpu.memref_slice %arg3[%dma_start3A_14] : memref<6400000xf32, #tpu.memory_space<hbm>> -> memref<6400000xf32, #tpu.memory_space<hbm>>
    tpu.enqueue_indirect_dma source(%dma_start3A_15 : memref<6400000xf32, #tpu.memory_space<hbm>>) target(%arg14 : memref<10000xf32, #tpu.memory_space<vmem>>) offsets(%arg10 : memref<10000xi32, #tpu.memory_space<vmem>>) semaphore(%arg17 : memref<!tpu.dma_semaphore, #tpu.memory_space<semaphore_mem>>)
    %dma_start3A_16 = arith.constant 0 : i32
    %dma_start3A_17 = tpu.memref_slice %arg4[%dma_start3A_16] : memref<6400000xf32, #tpu.memory_space<hbm>> -> memref<6400000xf32, #tpu.memory_space<hbm>>
    tpu.enqueue_indirect_dma source(%dma_start3A_17 : memref<6400000xf32, #tpu.memory_space<hbm>>) target(%arg16 : memref<10000xf32, #tpu.memory_space<vmem>>) offsets(%arg10 : memref<10000xi32, #tpu.memory_space<vmem>>) semaphore(%arg17 : memref<!tpu.dma_semaphore, #tpu.memory_space<semaphore_mem>>)
    %add3A_18 = arith.constant 0 : i32
    %add3A_19 = arith.addi %mul3A_2, %add3A_18 : i32
    %dma_wait3A = arith.constant 0 : i32
    %dma_wait3A_20 = tpu.memref_slice %arg2[%dma_wait3A] : memref<6400000xf32, #tpu.memory_space<hbm>> -> memref<6400000xf32, #tpu.memory_space<hbm>>
    tpu.wait_indirect_dma semaphore(%arg17 : memref<!tpu.dma_semaphore, #tpu.memory_space<semaphore_mem>>) src(%dma_wait3A_20 : memref<6400000xf32, #tpu.memory_space<hbm>>) dst(%arg11 : memref<10000xf32, #tpu.memory_space<vmem>>)
    %dma_wait3A_21 = arith.constant 0 : i32
    %dma_wait3A_22 = tpu.memref_slice %arg3[%dma_wait3A_21] : memref<6400000xf32, #tpu.memory_space<hbm>> -> memref<6400000xf32, #tpu.memory_space<hbm>>
    tpu.wait_indirect_dma semaphore(%arg17 : memref<!tpu.dma_semaphore, #tpu.memory_space<semaphore_mem>>) src(%dma_wait3A_22 : memref<6400000xf32, #tpu.memory_space<hbm>>) dst(%arg13 : memref<10000xf32, #tpu.memory_space<vmem>>)
    %dma_wait3A_23 = arith.constant 0 : i32
    %dma_wait3A_24 = tpu.memref_slice %arg4[%dma_wait3A_23] : memref<6400000xf32, #tpu.memory_space<hbm>> -> memref<6400000xf32, #tpu.memory_space<hbm>>
    tpu.wait_indirect_dma semaphore(%arg17 : memref<!tpu.dma_semaphore, #tpu.memory_space<semaphore_mem>>) src(%dma_wait3A_24 : memref<6400000xf32, #tpu.memory_space<hbm>>) dst(%arg15 : memref<10000xf32, #tpu.memory_space<vmem>>)
    %dma_start3A_25 = tpu.memref_slice %arg6[%add3A_19] : memref<1600000xf32, #tpu.memory_space<hbm>> -> memref<10000xf32, #tpu.memory_space<hbm>>
    %dma_start3A_26 = tpu.memref_slice %arg6[%add3A_19] : memref<1600000xf32, #tpu.memory_space<hbm>> -> memref<10000xf32, #tpu.memory_space<hbm>>
    tpu.enqueue_dma source(%arg11 : memref<10000xf32, #tpu.memory_space<vmem>>) target(%dma_start3A_26 : memref<10000xf32, #tpu.memory_space<hbm>>) target_semaphore(%arg18 : memref<!tpu.dma_semaphore, #tpu.memory_space<semaphore_mem>>)
    %dma_start3A_27 = tpu.memref_slice %arg7[%add3A_19] : memref<1600000xf32, #tpu.memory_space<hbm>> -> memref<10000xf32, #tpu.memory_space<hbm>>
    %dma_start3A_28 = tpu.memref_slice %arg7[%add3A_19] : memref<1600000xf32, #tpu.memory_space<hbm>> -> memref<10000xf32, #tpu.memory_space<hbm>>
    tpu.enqueue_dma source(%arg13 : memref<10000xf32, #tpu.memory_space<vmem>>) target(%dma_start3A_28 : memref<10000xf32, #tpu.memory_space<hbm>>) target_semaphore(%arg18 : memref<!tpu.dma_semaphore, #tpu.memory_space<semaphore_mem>>)
    %dma_start3A_29 = tpu.memref_slice %arg8[%add3A_19] : memref<1600000xf32, #tpu.memory_space<hbm>> -> memref<10000xf32, #tpu.memory_space<hbm>>
    %dma_start3A_30 = tpu.memref_slice %arg8[%add3A_19] : memref<1600000xf32, #tpu.memory_space<hbm>> -> memref<10000xf32, #tpu.memory_space<hbm>>
    tpu.enqueue_dma source(%arg15 : memref<10000xf32, #tpu.memory_space<vmem>>) target(%dma_start3A_30 : memref<10000xf32, #tpu.memory_space<hbm>>) target_semaphore(%arg18 : memref<!tpu.dma_semaphore, #tpu.memory_space<semaphore_mem>>)
    %dma_wait3A_31 = tpu.memref_slice %arg6[%add3A_19] : memref<1600000xf32, #tpu.memory_space<hbm>> -> memref<10000xf32, #tpu.memory_space<hbm>>
    %dma_wait3A_32 = tpu.memref_slice %arg6[%add3A_19] : memref<1600000xf32, #tpu.memory_space<hbm>> -> memref<10000xf32, #tpu.memory_space<hbm>>
    tpu.wait_dma2 semaphore(%arg18 : memref<!tpu.dma_semaphore, #tpu.memory_space<semaphore_mem>>) src(%arg11 : memref<10000xf32, #tpu.memory_space<vmem>>) dst(%dma_wait3A_32 : memref<10000xf32, #tpu.memory_space<hbm>>)
    %dma_wait3A_33 = tpu.memref_slice %arg7[%add3A_19] : memref<1600000xf32, #tpu.memory_space<hbm>> -> memref<10000xf32, #tpu.memory_space<hbm>>
    %dma_wait3A_34 = tpu.memref_slice %arg7[%add3A_19] : memref<1600000xf32, #tpu.memory_space<hbm>> -> memref<10000xf32, #tpu.memory_space<hbm>>
    tpu.wait_dma2 semaphore(%arg18 : memref<!tpu.dma_semaphore, #tpu.memory_space<semaphore_mem>>) src(%arg13 : memref<10000xf32, #tpu.memory_space<vmem>>) dst(%dma_wait3A_34 : memref<10000xf32, #tpu.memory_space<hbm>>)
    %dma_wait3A_35 = tpu.memref_slice %arg8[%add3A_19] : memref<1600000xf32, #tpu.memory_space<hbm>> -> memref<10000xf32, #tpu.memory_space<hbm>>
    %dma_wait3A_36 = tpu.memref_slice %arg8[%add3A_19] : memref<1600000xf32, #tpu.memory_space<hbm>> -> memref<10000xf32, #tpu.memory_space<hbm>>
    tpu.wait_dma2 semaphore(%arg18 : memref<!tpu.dma_semaphore, #tpu.memory_space<semaphore_mem>>) src(%arg15 : memref<10000xf32, #tpu.memory_space<vmem>>) dst(%dma_wait3A_36 : memref<10000xf32, #tpu.memory_space<hbm>>)
    %add3A_37 = arith.constant 20000 : i32
    %add3A_38 = arith.addi %mul3A_2, %add3A_37 : i32
    "tpu.region"() ({
      %run_scoped3A = tpu.sem_alloc : memref<!tpu.dma_semaphore, #tpu.memory_space<semaphore_mem>>
      %dma_start3A_129 = tpu.memref_slice %arg5[%add3A_38] : memref<1600000xi32, #tpu.memory_space<hbm>> -> memref<10000xi32, #tpu.memory_space<hbm>>
      %dma_start3A_130 = tpu.memref_slice %arg5[%add3A_38] : memref<1600000xi32, #tpu.memory_space<hbm>> -> memref<10000xi32, #tpu.memory_space<hbm>>
      tpu.enqueue_dma source(%dma_start3A_130 : memref<10000xi32, #tpu.memory_space<hbm>>) target(%arg9 : memref<10000xi32, #tpu.memory_space<vmem>>) target_semaphore(%run_scoped3A : memref<!tpu.dma_semaphore, #tpu.memory_space<semaphore_mem>>)
      %dma_wait3A_131 = tpu.memref_slice %arg5[%add3A_38] : memref<1600000xi32, #tpu.memory_space<hbm>> -> memref<10000xi32, #tpu.memory_space<hbm>>
      %dma_wait3A_132 = tpu.memref_slice %arg5[%add3A_38] : memref<1600000xi32, #tpu.memory_space<hbm>> -> memref<10000xi32, #tpu.memory_space<hbm>>
      tpu.wait_dma2 semaphore(%run_scoped3A : memref<!tpu.dma_semaphore, #tpu.memory_space<semaphore_mem>>) src(%dma_wait3A_132 : memref<10000xi32, #tpu.memory_space<hbm>>) dst(%arg9 : memref<10000xi32, #tpu.memory_space<vmem>>)
      tpu.yield
    }) : () -> ()
    %dma_start3A_39 = arith.constant 0 : i32
    %dma_start3A_40 = tpu.memref_slice %arg2[%dma_start3A_39] : memref<6400000xf32, #tpu.memory_space<hbm>> -> memref<6400000xf32, #tpu.memory_space<hbm>>
    tpu.enqueue_indirect_dma source(%dma_start3A_40 : memref<6400000xf32, #tpu.memory_space<hbm>>) target(%arg11 : memref<10000xf32, #tpu.memory_space<vmem>>) offsets(%arg9 : memref<10000xi32, #tpu.memory_space<vmem>>) semaphore(%arg17 : memref<!tpu.dma_semaphore, #tpu.memory_space<semaphore_mem>>)
    %dma_start3A_41 = arith.constant 0 : i32
    %dma_start3A_42 = tpu.memref_slice %arg3[%dma_start3A_41] : memref<6400000xf32, #tpu.memory_space<hbm>> -> memref<6400000xf32, #tpu.memory_space<hbm>>
    tpu.enqueue_indirect_dma source(%dma_start3A_42 : memref<6400000xf32, #tpu.memory_space<hbm>>) target(%arg13 : memref<10000xf32, #tpu.memory_space<vmem>>) offsets(%arg9 : memref<10000xi32, #tpu.memory_space<vmem>>) semaphore(%arg17 : memref<!tpu.dma_semaphore, #tpu.memory_space<semaphore_mem>>)
    %dma_start3A_43 = arith.constant 0 : i32
    %dma_start3A_44 = tpu.memref_slice %arg4[%dma_start3A_43] : memref<6400000xf32, #tpu.memory_space<hbm>> -> memref<6400000xf32, #tpu.memory_space<hbm>>
    tpu.enqueue_indirect_dma source(%dma_start3A_44 : memref<6400000xf32, #tpu.memory_space<hbm>>) target(%arg15 : memref<10000xf32, #tpu.memory_space<vmem>>) offsets(%arg9 : memref<10000xi32, #tpu.memory_space<vmem>>) semaphore(%arg17 : memref<!tpu.dma_semaphore, #tpu.memory_space<semaphore_mem>>)
    %add3A_45 = arith.constant 10000 : i32
    %add3A_46 = arith.addi %mul3A_2, %add3A_45 : i32
    %dma_wait3A_47 = arith.constant 0 : i32
    %dma_wait3A_48 = tpu.memref_slice %arg2[%dma_wait3A_47] : memref<6400000xf32, #tpu.memory_space<hbm>> -> memref<6400000xf32, #tpu.memory_space<hbm>>
    tpu.wait_indirect_dma semaphore(%arg17 : memref<!tpu.dma_semaphore, #tpu.memory_space<semaphore_mem>>) src(%dma_wait3A_48 : memref<6400000xf32, #tpu.memory_space<hbm>>) dst(%arg12 : memref<10000xf32, #tpu.memory_space<vmem>>)
    %dma_wait3A_49 = arith.constant 0 : i32
    %dma_wait3A_50 = tpu.memref_slice %arg3[%dma_wait3A_49] : memref<6400000xf32, #tpu.memory_space<hbm>> -> memref<6400000xf32, #tpu.memory_space<hbm>>
    tpu.wait_indirect_dma semaphore(%arg17 : memref<!tpu.dma_semaphore, #tpu.memory_space<semaphore_mem>>) src(%dma_wait3A_50 : memref<6400000xf32, #tpu.memory_space<hbm>>) dst(%arg14 : memref<10000xf32, #tpu.memory_space<vmem>>)
    %dma_wait3A_51 = arith.constant 0 : i32
    %dma_wait3A_52 = tpu.memref_slice %arg4[%dma_wait3A_51] : memref<6400000xf32, #tpu.memory_space<hbm>> -> memref<6400000xf32, #tpu.memory_space<hbm>>
    tpu.wait_indirect_dma semaphore(%arg17 : memref<!tpu.dma_semaphore, #tpu.memory_space<semaphore_mem>>) src(%dma_wait3A_52 : memref<6400000xf32, #tpu.memory_space<hbm>>) dst(%arg16 : memref<10000xf32, #tpu.memory_space<vmem>>)
    %dma_start3A_53 = tpu.memref_slice %arg6[%add3A_46] : memref<1600000xf32, #tpu.memory_space<hbm>> -> memref<10000xf32, #tpu.memory_space<hbm>>
    %dma_start3A_54 = tpu.memref_slice %arg6[%add3A_46] : memref<1600000xf32, #tpu.memory_space<hbm>> -> memref<10000xf32, #tpu.memory_space<hbm>>
    tpu.enqueue_dma source(%arg12 : memref<10000xf32, #tpu.memory_space<vmem>>) target(%dma_start3A_54 : memref<10000xf32, #tpu.memory_space<hbm>>) target_semaphore(%arg18 : memref<!tpu.dma_semaphore, #tpu.memory_space<semaphore_mem>>)
    %dma_start3A_55 = tpu.memref_slice %arg7[%add3A_46] : memref<1600000xf32, #tpu.memory_space<hbm>> -> memref<10000xf32, #tpu.memory_space<hbm>>
    %dma_start3A_56 = tpu.memref_slice %arg7[%add3A_46] : memref<1600000xf32, #tpu.memory_space<hbm>> -> memref<10000xf32, #tpu.memory_space<hbm>>
    tpu.enqueue_dma source(%arg14 : memref<10000xf32, #tpu.memory_space<vmem>>) target(%dma_start3A_56 : memref<10000xf32, #tpu.memory_space<hbm>>) target_semaphore(%arg18 : memref<!tpu.dma_semaphore, #tpu.memory_space<semaphore_mem>>)
    %dma_start3A_57 = tpu.memref_slice %arg8[%add3A_46] : memref<1600000xf32, #tpu.memory_space<hbm>> -> memref<10000xf32, #tpu.memory_space<hbm>>
    %dma_start3A_58 = tpu.memref_slice %arg8[%add3A_46] : memref<1600000xf32, #tpu.memory_space<hbm>> -> memref<10000xf32, #tpu.memory_space<hbm>>
    tpu.enqueue_dma source(%arg16 : memref<10000xf32, #tpu.memory_space<vmem>>) target(%dma_start3A_58 : memref<10000xf32, #tpu.memory_space<hbm>>) target_semaphore(%arg18 : memref<!tpu.dma_semaphore, #tpu.memory_space<semaphore_mem>>)
    %dma_wait3A_59 = tpu.memref_slice %arg6[%add3A_46] : memref<1600000xf32, #tpu.memory_space<hbm>> -> memref<10000xf32, #tpu.memory_space<hbm>>
    %dma_wait3A_60 = tpu.memref_slice %arg6[%add3A_46] : memref<1600000xf32, #tpu.memory_space<hbm>> -> memref<10000xf32, #tpu.memory_space<hbm>>
    tpu.wait_dma2 semaphore(%arg18 : memref<!tpu.dma_semaphore, #tpu.memory_space<semaphore_mem>>) src(%arg12 : memref<10000xf32, #tpu.memory_space<vmem>>) dst(%dma_wait3A_60 : memref<10000xf32, #tpu.memory_space<hbm>>)
    %dma_wait3A_61 = tpu.memref_slice %arg7[%add3A_46] : memref<1600000xf32, #tpu.memory_space<hbm>> -> memref<10000xf32, #tpu.memory_space<hbm>>
    %dma_wait3A_62 = tpu.memref_slice %arg7[%add3A_46] : memref<1600000xf32, #tpu.memory_space<hbm>> -> memref<10000xf32, #tpu.memory_space<hbm>>
    tpu.wait_dma2 semaphore(%arg18 : memref<!tpu.dma_semaphore, #tpu.memory_space<semaphore_mem>>) src(%arg14 : memref<10000xf32, #tpu.memory_space<vmem>>) dst(%dma_wait3A_62 : memref<10000xf32, #tpu.memory_space<hbm>>)
    %dma_wait3A_63 = tpu.memref_slice %arg8[%add3A_46] : memref<1600000xf32, #tpu.memory_space<hbm>> -> memref<10000xf32, #tpu.memory_space<hbm>>
    %dma_wait3A_64 = tpu.memref_slice %arg8[%add3A_46] : memref<1600000xf32, #tpu.memory_space<hbm>> -> memref<10000xf32, #tpu.memory_space<hbm>>
    tpu.wait_dma2 semaphore(%arg18 : memref<!tpu.dma_semaphore, #tpu.memory_space<semaphore_mem>>) src(%arg16 : memref<10000xf32, #tpu.memory_space<vmem>>) dst(%dma_wait3A_64 : memref<10000xf32, #tpu.memory_space<hbm>>)
    %add3A_65 = arith.constant 30000 : i32
    %add3A_66 = arith.addi %mul3A_2, %add3A_65 : i32
    "tpu.region"() ({
      %run_scoped3A = tpu.sem_alloc : memref<!tpu.dma_semaphore, #tpu.memory_space<semaphore_mem>>
      %dma_start3A_129 = tpu.memref_slice %arg5[%add3A_66] : memref<1600000xi32, #tpu.memory_space<hbm>> -> memref<10000xi32, #tpu.memory_space<hbm>>
      %dma_start3A_130 = tpu.memref_slice %arg5[%add3A_66] : memref<1600000xi32, #tpu.memory_space<hbm>> -> memref<10000xi32, #tpu.memory_space<hbm>>
      tpu.enqueue_dma source(%dma_start3A_130 : memref<10000xi32, #tpu.memory_space<hbm>>) target(%arg10 : memref<10000xi32, #tpu.memory_space<vmem>>) target_semaphore(%run_scoped3A : memref<!tpu.dma_semaphore, #tpu.memory_space<semaphore_mem>>)
      %dma_wait3A_131 = tpu.memref_slice %arg5[%add3A_66] : memref<1600000xi32, #tpu.memory_space<hbm>> -> memref<10000xi32, #tpu.memory_space<hbm>>
      %dma_wait3A_132 = tpu.memref_slice %arg5[%add3A_66] : memref<1600000xi32, #tpu.memory_space<hbm>> -> memref<10000xi32, #tpu.memory_space<hbm>>
      tpu.wait_dma2 semaphore(%run_scoped3A : memref<!tpu.dma_semaphore, #tpu.memory_space<semaphore_mem>>) src(%dma_wait3A_132 : memref<10000xi32, #tpu.memory_space<hbm>>) dst(%arg10 : memref<10000xi32, #tpu.memory_space<vmem>>)
      tpu.yield
    }) : () -> ()
    %dma_start3A_67 = arith.constant 0 : i32
    %dma_start3A_68 = tpu.memref_slice %arg2[%dma_start3A_67] : memref<6400000xf32, #tpu.memory_space<hbm>> -> memref<6400000xf32, #tpu.memory_space<hbm>>
    tpu.enqueue_indirect_dma source(%dma_start3A_68 : memref<6400000xf32, #tpu.memory_space<hbm>>) target(%arg12 : memref<10000xf32, #tpu.memory_space<vmem>>) offsets(%arg10 : memref<10000xi32, #tpu.memory_space<vmem>>) semaphore(%arg17 : memref<!tpu.dma_semaphore, #tpu.memory_space<semaphore_mem>>)
    %dma_start3A_69 = arith.constant 0 : i32
    %dma_start3A_70 = tpu.memref_slice %arg3[%dma_start3A_69] : memref<6400000xf32, #tpu.memory_space<hbm>> -> memref<6400000xf32, #tpu.memory_space<hbm>>
    tpu.enqueue_indirect_dma source(%dma_start3A_70 : memref<6400000xf32, #tpu.memory_space<hbm>>) target(%arg14 : memref<10000xf32, #tpu.memory_space<vmem>>) offsets(%arg10 : memref<10000xi32, #tpu.memory_space<vmem>>) semaphore(%arg17 : memref<!tpu.dma_semaphore, #tpu.memory_space<semaphore_mem>>)
    %dma_start3A_71 = arith.constant 0 : i32
    %dma_start3A_72 = tpu.memref_slice %arg4[%dma_start3A_71] : memref<6400000xf32, #tpu.memory_space<hbm>> -> memref<6400000xf32, #tpu.memory_space<hbm>>
    tpu.enqueue_indirect_dma source(%dma_start3A_72 : memref<6400000xf32, #tpu.memory_space<hbm>>) target(%arg16 : memref<10000xf32, #tpu.memory_space<vmem>>) offsets(%arg10 : memref<10000xi32, #tpu.memory_space<vmem>>) semaphore(%arg17 : memref<!tpu.dma_semaphore, #tpu.memory_space<semaphore_mem>>)
    %add3A_73 = arith.constant 20000 : i32
    %add3A_74 = arith.addi %mul3A_2, %add3A_73 : i32
    %dma_wait3A_75 = arith.constant 0 : i32
    %dma_wait3A_76 = tpu.memref_slice %arg2[%dma_wait3A_75] : memref<6400000xf32, #tpu.memory_space<hbm>> -> memref<6400000xf32, #tpu.memory_space<hbm>>
    tpu.wait_indirect_dma semaphore(%arg17 : memref<!tpu.dma_semaphore, #tpu.memory_space<semaphore_mem>>) src(%dma_wait3A_76 : memref<6400000xf32, #tpu.memory_space<hbm>>) dst(%arg11 : memref<10000xf32, #tpu.memory_space<vmem>>)
    %dma_wait3A_77 = arith.constant 0 : i32
    %dma_wait3A_78 = tpu.memref_slice %arg3[%dma_wait3A_77] : memref<6400000xf32, #tpu.memory_space<hbm>> -> memref<6400000xf32, #tpu.memory_space<hbm>>
    tpu.wait_indirect_dma semaphore(%arg17 : memref<!tpu.dma_semaphore, #tpu.memory_space<semaphore_mem>>) src(%dma_wait3A_78 : memref<6400000xf32, #tpu.memory_space<hbm>>) dst(%arg13 : memref<10000xf32, #tpu.memory_space<vmem>>)
    %dma_wait3A_79 = arith.constant 0 : i32
    %dma_wait3A_80 = tpu.memref_slice %arg4[%dma_wait3A_79] : memref<6400000xf32, #tpu.memory_space<hbm>> -> memref<6400000xf32, #tpu.memory_space<hbm>>
    tpu.wait_indirect_dma semaphore(%arg17 : memref<!tpu.dma_semaphore, #tpu.memory_space<semaphore_mem>>) src(%dma_wait3A_80 : memref<6400000xf32, #tpu.memory_space<hbm>>) dst(%arg15 : memref<10000xf32, #tpu.memory_space<vmem>>)
    %dma_start3A_81 = tpu.memref_slice %arg6[%add3A_74] : memref<1600000xf32, #tpu.memory_space<hbm>> -> memref<10000xf32, #tpu.memory_space<hbm>>
    %dma_start3A_82 = tpu.memref_slice %arg6[%add3A_74] : memref<1600000xf32, #tpu.memory_space<hbm>> -> memref<10000xf32, #tpu.memory_space<hbm>>
    tpu.enqueue_dma source(%arg11 : memref<10000xf32, #tpu.memory_space<vmem>>) target(%dma_start3A_82 : memref<10000xf32, #tpu.memory_space<hbm>>) target_semaphore(%arg18 : memref<!tpu.dma_semaphore, #tpu.memory_space<semaphore_mem>>)
    %dma_start3A_83 = tpu.memref_slice %arg7[%add3A_74] : memref<1600000xf32, #tpu.memory_space<hbm>> -> memref<10000xf32, #tpu.memory_space<hbm>>
    %dma_start3A_84 = tpu.memref_slice %arg7[%add3A_74] : memref<1600000xf32, #tpu.memory_space<hbm>> -> memref<10000xf32, #tpu.memory_space<hbm>>
    tpu.enqueue_dma source(%arg13 : memref<10000xf32, #tpu.memory_space<vmem>>) target(%dma_start3A_84 : memref<10000xf32, #tpu.memory_space<hbm>>) target_semaphore(%arg18 : memref<!tpu.dma_semaphore, #tpu.memory_space<semaphore_mem>>)
    %dma_start3A_85 = tpu.memref_slice %arg8[%add3A_74] : memref<1600000xf32, #tpu.memory_space<hbm>> -> memref<10000xf32, #tpu.memory_space<hbm>>
    %dma_start3A_86 = tpu.memref_slice %arg8[%add3A_74] : memref<1600000xf32, #tpu.memory_space<hbm>> -> memref<10000xf32, #tpu.memory_space<hbm>>
    tpu.enqueue_dma source(%arg15 : memref<10000xf32, #tpu.memory_space<vmem>>) target(%dma_start3A_86 : memref<10000xf32, #tpu.memory_space<hbm>>) target_semaphore(%arg18 : memref<!tpu.dma_semaphore, #tpu.memory_space<semaphore_mem>>)
    %dma_wait3A_87 = tpu.memref_slice %arg6[%add3A_74] : memref<1600000xf32, #tpu.memory_space<hbm>> -> memref<10000xf32, #tpu.memory_space<hbm>>
    %dma_wait3A_88 = tpu.memref_slice %arg6[%add3A_74] : memref<1600000xf32, #tpu.memory_space<hbm>> -> memref<10000xf32, #tpu.memory_space<hbm>>
    tpu.wait_dma2 semaphore(%arg18 : memref<!tpu.dma_semaphore, #tpu.memory_space<semaphore_mem>>) src(%arg11 : memref<10000xf32, #tpu.memory_space<vmem>>) dst(%dma_wait3A_88 : memref<10000xf32, #tpu.memory_space<hbm>>)
    %dma_wait3A_89 = tpu.memref_slice %arg7[%add3A_74] : memref<1600000xf32, #tpu.memory_space<hbm>> -> memref<10000xf32, #tpu.memory_space<hbm>>
    %dma_wait3A_90 = tpu.memref_slice %arg7[%add3A_74] : memref<1600000xf32, #tpu.memory_space<hbm>> -> memref<10000xf32, #tpu.memory_space<hbm>>
    tpu.wait_dma2 semaphore(%arg18 : memref<!tpu.dma_semaphore, #tpu.memory_space<semaphore_mem>>) src(%arg13 : memref<10000xf32, #tpu.memory_space<vmem>>) dst(%dma_wait3A_90 : memref<10000xf32, #tpu.memory_space<hbm>>)
    %dma_wait3A_91 = tpu.memref_slice %arg8[%add3A_74] : memref<1600000xf32, #tpu.memory_space<hbm>> -> memref<10000xf32, #tpu.memory_space<hbm>>
    %dma_wait3A_92 = tpu.memref_slice %arg8[%add3A_74] : memref<1600000xf32, #tpu.memory_space<hbm>> -> memref<10000xf32, #tpu.memory_space<hbm>>
    tpu.wait_dma2 semaphore(%arg18 : memref<!tpu.dma_semaphore, #tpu.memory_space<semaphore_mem>>) src(%arg15 : memref<10000xf32, #tpu.memory_space<vmem>>) dst(%dma_wait3A_92 : memref<10000xf32, #tpu.memory_space<hbm>>)
    %add3A_93 = arith.constant 40000 : i32
    %add3A_94 = arith.addi %mul3A_2, %add3A_93 : i32
    "tpu.region"() ({
      %run_scoped3A = tpu.sem_alloc : memref<!tpu.dma_semaphore, #tpu.memory_space<semaphore_mem>>
      %dma_start3A_129 = tpu.memref_slice %arg5[%add3A_94] : memref<1600000xi32, #tpu.memory_space<hbm>> -> memref<10000xi32, #tpu.memory_space<hbm>>
      %dma_start3A_130 = tpu.memref_slice %arg5[%add3A_94] : memref<1600000xi32, #tpu.memory_space<hbm>> -> memref<10000xi32, #tpu.memory_space<hbm>>
      tpu.enqueue_dma source(%dma_start3A_130 : memref<10000xi32, #tpu.memory_space<hbm>>) target(%arg9 : memref<10000xi32, #tpu.memory_space<vmem>>) target_semaphore(%run_scoped3A : memref<!tpu.dma_semaphore, #tpu.memory_space<semaphore_mem>>)
      %dma_wait3A_131 = tpu.memref_slice %arg5[%add3A_94] : memref<1600000xi32, #tpu.memory_space<hbm>> -> memref<10000xi32, #tpu.memory_space<hbm>>
      %dma_wait3A_132 = tpu.memref_slice %arg5[%add3A_94] : memref<1600000xi32, #tpu.memory_space<hbm>> -> memref<10000xi32, #tpu.memory_space<hbm>>
      tpu.wait_dma2 semaphore(%run_scoped3A : memref<!tpu.dma_semaphore, #tpu.memory_space<semaphore_mem>>) src(%dma_wait3A_132 : memref<10000xi32, #tpu.memory_space<hbm>>) dst(%arg9 : memref<10000xi32, #tpu.memory_space<vmem>>)
      tpu.yield
    }) : () -> ()
    %dma_start3A_95 = arith.constant 0 : i32
    %dma_start3A_96 = tpu.memref_slice %arg2[%dma_start3A_95] : memref<6400000xf32, #tpu.memory_space<hbm>> -> memref<6400000xf32, #tpu.memory_space<hbm>>
    tpu.enqueue_indirect_dma source(%dma_start3A_96 : memref<6400000xf32, #tpu.memory_space<hbm>>) target(%arg11 : memref<10000xf32, #tpu.memory_space<vmem>>) offsets(%arg9 : memref<10000xi32, #tpu.memory_space<vmem>>) semaphore(%arg17 : memref<!tpu.dma_semaphore, #tpu.memory_space<semaphore_mem>>)
    %dma_start3A_97 = arith.constant 0 : i32
    %dma_start3A_98 = tpu.memref_slice %arg3[%dma_start3A_97] : memref<6400000xf32, #tpu.memory_space<hbm>> -> memref<6400000xf32, #tpu.memory_space<hbm>>
    tpu.enqueue_indirect_dma source(%dma_start3A_98 : memref<6400000xf32, #tpu.memory_space<hbm>>) target(%arg13 : memref<10000xf32, #tpu.memory_space<vmem>>) offsets(%arg9 : memref<10000xi32, #tpu.memory_space<vmem>>) semaphore(%arg17 : memref<!tpu.dma_semaphore, #tpu.memory_space<semaphore_mem>>)
    %dma_start3A_99 = arith.constant 0 : i32
    %dma_start3A_100 = tpu.memref_slice %arg4[%dma_start3A_99] : memref<6400000xf32, #tpu.memory_space<hbm>> -> memref<6400000xf32, #tpu.memory_space<hbm>>
    tpu.enqueue_indirect_dma source(%dma_start3A_100 : memref<6400000xf32, #tpu.memory_space<hbm>>) target(%arg15 : memref<10000xf32, #tpu.memory_space<vmem>>) offsets(%arg9 : memref<10000xi32, #tpu.memory_space<vmem>>) semaphore(%arg17 : memref<!tpu.dma_semaphore, #tpu.memory_space<semaphore_mem>>)
    %add3A_101 = arith.constant 30000 : i32
    %add3A_102 = arith.addi %mul3A_2, %add3A_101 : i32
    %dma_wait3A_103 = arith.constant 0 : i32
    %dma_wait3A_104 = tpu.memref_slice %arg2[%dma_wait3A_103] : memref<6400000xf32, #tpu.memory_space<hbm>> -> memref<6400000xf32, #tpu.memory_space<hbm>>
    tpu.wait_indirect_dma semaphore(%arg17 : memref<!tpu.dma_semaphore, #tpu.memory_space<semaphore_mem>>) src(%dma_wait3A_104 : memref<6400000xf32, #tpu.memory_space<hbm>>) dst(%arg12 : memref<10000xf32, #tpu.memory_space<vmem>>)
    %dma_wait3A_105 = arith.constant 0 : i32
    %dma_wait3A_106 = tpu.memref_slice %arg3[%dma_wait3A_105] : memref<6400000xf32, #tpu.memory_space<hbm>> -> memref<6400000xf32, #tpu.memory_space<hbm>>
    tpu.wait_indirect_dma semaphore(%arg17 : memref<!tpu.dma_semaphore, #tpu.memory_space<semaphore_mem>>) src(%dma_wait3A_106 : memref<6400000xf32, #tpu.memory_space<hbm>>) dst(%arg14 : memref<10000xf32, #tpu.memory_space<vmem>>)
    %dma_wait3A_107 = arith.constant 0 : i32
    %dma_wait3A_108 = tpu.memref_slice %arg4[%dma_wait3A_107] : memref<6400000xf32, #tpu.memory_space<hbm>> -> memref<6400000xf32, #tpu.memory_space<hbm>>
    tpu.wait_indirect_dma semaphore(%arg17 : memref<!tpu.dma_semaphore, #tpu.memory_space<semaphore_mem>>) src(%dma_wait3A_108 : memref<6400000xf32, #tpu.memory_space<hbm>>) dst(%arg16 : memref<10000xf32, #tpu.memory_space<vmem>>)
    %dma_start3A_109 = tpu.memref_slice %arg6[%add3A_102] : memref<1600000xf32, #tpu.memory_space<hbm>> -> memref<10000xf32, #tpu.memory_space<hbm>>
    %dma_start3A_110 = tpu.memref_slice %arg6[%add3A_102] : memref<1600000xf32, #tpu.memory_space<hbm>> -> memref<10000xf32, #tpu.memory_space<hbm>>
    tpu.enqueue_dma source(%arg12 : memref<10000xf32, #tpu.memory_space<vmem>>) target(%dma_start3A_110 : memref<10000xf32, #tpu.memory_space<hbm>>) target_semaphore(%arg18 : memref<!tpu.dma_semaphore, #tpu.memory_space<semaphore_mem>>)
    %dma_start3A_111 = tpu.memref_slice %arg7[%add3A_102] : memref<1600000xf32, #tpu.memory_space<hbm>> -> memref<10000xf32, #tpu.memory_space<hbm>>
    %dma_start3A_112 = tpu.memref_slice %arg7[%add3A_102] : memref<1600000xf32, #tpu.memory_space<hbm>> -> memref<10000xf32, #tpu.memory_space<hbm>>
    tpu.enqueue_dma source(%arg14 : memref<10000xf32, #tpu.memory_space<vmem>>) target(%dma_start3A_112 : memref<10000xf32, #tpu.memory_space<hbm>>) target_semaphore(%arg18 : memref<!tpu.dma_semaphore, #tpu.memory_space<semaphore_mem>>)
    %dma_start3A_113 = tpu.memref_slice %arg8[%add3A_102] : memref<1600000xf32, #tpu.memory_space<hbm>> -> memref<10000xf32, #tpu.memory_space<hbm>>
    %dma_start3A_114 = tpu.memref_slice %arg8[%add3A_102] : memref<1600000xf32, #tpu.memory_space<hbm>> -> memref<10000xf32, #tpu.memory_space<hbm>>
    tpu.enqueue_dma source(%arg16 : memref<10000xf32, #tpu.memory_space<vmem>>) target(%dma_start3A_114 : memref<10000xf32, #tpu.memory_space<hbm>>) target_semaphore(%arg18 : memref<!tpu.dma_semaphore, #tpu.memory_space<semaphore_mem>>)
    %add3A_115 = arith.constant 40000 : i32
    %add3A_116 = arith.addi %mul3A_2, %add3A_115 : i32
    %dma_wait3A_117 = arith.constant 0 : i32
    %dma_wait3A_118 = tpu.memref_slice %arg2[%dma_wait3A_117] : memref<6400000xf32, #tpu.memory_space<hbm>> -> memref<6400000xf32, #tpu.memory_space<hbm>>
    tpu.wait_indirect_dma semaphore(%arg17 : memref<!tpu.dma_semaphore, #tpu.memory_space<semaphore_mem>>) src(%dma_wait3A_118 : memref<6400000xf32, #tpu.memory_space<hbm>>) dst(%arg11 : memref<10000xf32, #tpu.memory_space<vmem>>)
    %dma_wait3A_119 = arith.constant 0 : i32
    %dma_wait3A_120 = tpu.memref_slice %arg3[%dma_wait3A_119] : memref<6400000xf32, #tpu.memory_space<hbm>> -> memref<6400000xf32, #tpu.memory_space<hbm>>
    tpu.wait_indirect_dma semaphore(%arg17 : memref<!tpu.dma_semaphore, #tpu.memory_space<semaphore_mem>>) src(%dma_wait3A_120 : memref<6400000xf32, #tpu.memory_space<hbm>>) dst(%arg13 : memref<10000xf32, #tpu.memory_space<vmem>>)
    %dma_wait3A_121 = arith.constant 0 : i32
    %dma_wait3A_122 = tpu.memref_slice %arg4[%dma_wait3A_121] : memref<6400000xf32, #tpu.memory_space<hbm>> -> memref<6400000xf32, #tpu.memory_space<hbm>>
    tpu.wait_indirect_dma semaphore(%arg17 : memref<!tpu.dma_semaphore, #tpu.memory_space<semaphore_mem>>) src(%dma_wait3A_122 : memref<6400000xf32, #tpu.memory_space<hbm>>) dst(%arg15 : memref<10000xf32, #tpu.memory_space<vmem>>)
    "tpu.region"() ({
      %run_scoped3A = tpu.sem_alloc : memref<!tpu.dma_semaphore, #tpu.memory_space<semaphore_mem>>
      %dma_start3A_129 = tpu.memref_slice %arg6[%add3A_116] : memref<1600000xf32, #tpu.memory_space<hbm>> -> memref<10000xf32, #tpu.memory_space<hbm>>
      %dma_start3A_130 = tpu.memref_slice %arg6[%add3A_116] : memref<1600000xf32, #tpu.memory_space<hbm>> -> memref<10000xf32, #tpu.memory_space<hbm>>
      tpu.enqueue_dma source(%arg11 : memref<10000xf32, #tpu.memory_space<vmem>>) target(%dma_start3A_130 : memref<10000xf32, #tpu.memory_space<hbm>>) target_semaphore(%run_scoped3A : memref<!tpu.dma_semaphore, #tpu.memory_space<semaphore_mem>>)
      %dma_wait3A_131 = tpu.memref_slice %arg6[%add3A_116] : memref<1600000xf32, #tpu.memory_space<hbm>> -> memref<10000xf32, #tpu.memory_space<hbm>>
      %dma_wait3A_132 = tpu.memref_slice %arg6[%add3A_116] : memref<1600000xf32, #tpu.memory_space<hbm>> -> memref<10000xf32, #tpu.memory_space<hbm>>
      tpu.wait_dma2 semaphore(%run_scoped3A : memref<!tpu.dma_semaphore, #tpu.memory_space<semaphore_mem>>) src(%arg11 : memref<10000xf32, #tpu.memory_space<vmem>>) dst(%dma_wait3A_132 : memref<10000xf32, #tpu.memory_space<hbm>>)
      tpu.yield
    }) : () -> ()
    "tpu.region"() ({
      %run_scoped3A = tpu.sem_alloc : memref<!tpu.dma_semaphore, #tpu.memory_space<semaphore_mem>>
      %dma_start3A_129 = tpu.memref_slice %arg7[%add3A_116] : memref<1600000xf32, #tpu.memory_space<hbm>> -> memref<10000xf32, #tpu.memory_space<hbm>>
      %dma_start3A_130 = tpu.memref_slice %arg7[%add3A_116] : memref<1600000xf32, #tpu.memory_space<hbm>> -> memref<10000xf32, #tpu.memory_space<hbm>>
      tpu.enqueue_dma source(%arg13 : memref<10000xf32, #tpu.memory_space<vmem>>) target(%dma_start3A_130 : memref<10000xf32, #tpu.memory_space<hbm>>) target_semaphore(%run_scoped3A : memref<!tpu.dma_semaphore, #tpu.memory_space<semaphore_mem>>)
      %dma_wait3A_131 = tpu.memref_slice %arg7[%add3A_116] : memref<1600000xf32, #tpu.memory_space<hbm>> -> memref<10000xf32, #tpu.memory_space<hbm>>
      %dma_wait3A_132 = tpu.memref_slice %arg7[%add3A_116] : memref<1600000xf32, #tpu.memory_space<hbm>> -> memref<10000xf32, #tpu.memory_space<hbm>>
      tpu.wait_dma2 semaphore(%run_scoped3A : memref<!tpu.dma_semaphore, #tpu.memory_space<semaphore_mem>>) src(%arg13 : memref<10000xf32, #tpu.memory_space<vmem>>) dst(%dma_wait3A_132 : memref<10000xf32, #tpu.memory_space<hbm>>)
      tpu.yield
    }) : () -> ()
    "tpu.region"() ({
      %run_scoped3A = tpu.sem_alloc : memref<!tpu.dma_semaphore, #tpu.memory_space<semaphore_mem>>
      %dma_start3A_129 = tpu.memref_slice %arg8[%add3A_116] : memref<1600000xf32, #tpu.memory_space<hbm>> -> memref<10000xf32, #tpu.memory_space<hbm>>
      %dma_start3A_130 = tpu.memref_slice %arg8[%add3A_116] : memref<1600000xf32, #tpu.memory_space<hbm>> -> memref<10000xf32, #tpu.memory_space<hbm>>
      tpu.enqueue_dma source(%arg15 : memref<10000xf32, #tpu.memory_space<vmem>>) target(%dma_start3A_130 : memref<10000xf32, #tpu.memory_space<hbm>>) target_semaphore(%run_scoped3A : memref<!tpu.dma_semaphore, #tpu.memory_space<semaphore_mem>>)
      %dma_wait3A_131 = tpu.memref_slice %arg8[%add3A_116] : memref<1600000xf32, #tpu.memory_space<hbm>> -> memref<10000xf32, #tpu.memory_space<hbm>>
      %dma_wait3A_132 = tpu.memref_slice %arg8[%add3A_116] : memref<1600000xf32, #tpu.memory_space<hbm>> -> memref<10000xf32, #tpu.memory_space<hbm>>
      tpu.wait_dma2 semaphore(%run_scoped3A : memref<!tpu.dma_semaphore, #tpu.memory_space<semaphore_mem>>) src(%arg15 : memref<10000xf32, #tpu.memory_space<vmem>>) dst(%dma_wait3A_132 : memref<10000xf32, #tpu.memory_space<hbm>>)
      tpu.yield
    }) : () -> ()
    %dma_wait3A_123 = tpu.memref_slice %arg6[%add3A_102] : memref<1600000xf32, #tpu.memory_space<hbm>> -> memref<10000xf32, #tpu.memory_space<hbm>>
    %dma_wait3A_124 = tpu.memref_slice %arg6[%add3A_102] : memref<1600000xf32, #tpu.memory_space<hbm>> -> memref<10000xf32, #tpu.memory_space<hbm>>
    tpu.wait_dma2 semaphore(%arg18 : memref<!tpu.dma_semaphore, #tpu.memory_space<semaphore_mem>>) src(%arg12 : memref<10000xf32, #tpu.memory_space<vmem>>) dst(%dma_wait3A_124 : memref<10000xf32, #tpu.memory_space<hbm>>)
    %dma_wait3A_125 = tpu.memref_slice %arg7[%add3A_102] : memref<1600000xf32, #tpu.memory_space<hbm>> -> memref<10000xf32, #tpu.memory_space<hbm>>
    %dma_wait3A_126 = tpu.memref_slice %arg7[%add3A_102] : memref<1600000xf32, #tpu.memory_space<hbm>> -> memref<10000xf32, #tpu.memory_space<hbm>>
    tpu.wait_dma2 semaphore(%arg18 : memref<!tpu.dma_semaphore, #tpu.memory_space<semaphore_mem>>) src(%arg14 : memref<10000xf32, #tpu.memory_space<vmem>>) dst(%dma_wait3A_126 : memref<10000xf32, #tpu.memory_space<hbm>>)
    %dma_wait3A_127 = tpu.memref_slice %arg8[%add3A_102] : memref<1600000xf32, #tpu.memory_space<hbm>> -> memref<10000xf32, #tpu.memory_space<hbm>>
    %dma_wait3A_128 = tpu.memref_slice %arg8[%add3A_102] : memref<1600000xf32, #tpu.memory_space<hbm>> -> memref<10000xf32, #tpu.memory_space<hbm>>
    tpu.wait_dma2 semaphore(%arg18 : memref<!tpu.dma_semaphore, #tpu.memory_space<semaphore_mem>>) src(%arg16 : memref<10000xf32, #tpu.memory_space<vmem>>) dst(%dma_wait3A_128 : memref<10000xf32, #tpu.memory_space<hbm>>)
    return
  }
}

</mosaic_0001>

<sc_bundles>
// kernel: kernel.4.cloned.1.call-start
scs
__scs_entry_jumppad:
0x0: {  	(pc) =	sbr.rel $0x88, $3  }
0x1: {  	(tag) =	ssettag $0x0;
	lr =	simm.s32 $0x1  }
0x2: {  	[smem:$0x3F9E] =	sst lr;
	_ =	strace $0xD0000000  }
0x3: {  	_ = 	snop  }
0x4: {  	_ = 	snop  }
0x5: {  	_ = 	snop  }
0x6: {  	_ = 	snop  }
0x7: {  	_ = 	snop  }
__scs_overlays_trampoline_lowered:
0x8: {  	[smem:$0x3FAD] =	sst s0  }
0x9: {  	[smem:$0x3FAE] =	sst s1  }
0xa: {  	[smem:$0x3FAF] =	sst s2  }
0xb: {  	[smem:$0x3FB0] =	sst s3  }
0xc: {  	[smem:$0x3FB1] =	sst s4  }
0xd: {  	[smem:$0x3FB2] =	sst s5  }
0xe: {  	[smem:$0x3FB3] =	sst s6  }
0xf: {  	[smem:$0x3FB4] =	sst s7  }
0x10: {  	[smem:$0x3FB5] =	sst s8  }
0x11: {  	[smem:$0x3FB6] =	sst s9;
	s0 =	simm.s32 @!p0 $0x0  }
0x12: {  	s1 =	sld [smem:$0x3F9C];
	s0 =	simm.s32 @p0 $0x1  }
0x13: {  	[smem:$0x3FB7] =	sst s0;
	s0 =	simm.s32 @!p1 $0x0  }
0x14: {  	s2 =	sld [smem:$0x3F9B];
	s0 =	simm.s32 @p1 $0x1  }
0x15: {  	[smem:$0x3FB8] =	sst s0;
	s0 =	simm.s32 @!p2 $0x0  }
0x16: {  	s3 =	sld [smem:$0x3FDB];
	s0 =	simm.s32 @p2 $0x1  }
0x17: {  	s4 =	simm.s32 $0x1BF5;
	[smem:$0x3FBA] =	sst s0  }
0x18: {  	s0 =	sld [smem:$0x3F9D];
	_ =	swait.ge [sflag:s4], $0x0  }
0x19: {  	s7 =	sld [smem:$0x3F9E]  }
0x1a: {  	s8 =	sadd.s32 $0xFFFFE003, lr  }
0x1b: {  	s9 =	sadd.s32 $0xFFFFFEF7, lr;
	s5 =	simm.s32 $0xFFFFFFFF;
	p2 =	slt.u32 s8, $0xFFFFF086  }
0x1c: {  	p1 =	slt.u32 s9, $0xF7A;
	s5 =	simm.s32 @!p2 $0x0  }
0x1d: {  	s5 =	simm.s32 @p1 $0x1;
	p0 =	seq.s32 s7, s2  }
0x1e: {  	s7 =	smul.u32 @!p0 $0xF7A, s2;
	p2 =	seq.s32 @!p0 s5, $0x0  }
0x1f: {  	s9 =	smul.u32 $0xF7A, s1;
	s8 =	simm.s32 @!p0 $0x1BF5;
	p2 =	por !p2, p0  }
0x20: {  	[sflag:s8] =	ssyncset.s32 @!p0 $0xFFFFF086;
	s6 =	sadd.s32 @!p0 s3, s7;
	s7 =	simm.s32 @!p0 $0x108  }
0x21: {  	s3 =	sadd.s32 s3, s9;
	s6 =	sadd.s32 @!p0 $0x88, s6;
	s7 =	simm.s32 @p2 $0x1082  }
0x22: {  	[simem:s7], [sflag:s8] =	dma.local @!p0 [hbm:s6], $0xF7A  }
0x23: {  	s9 =	sor.u32 $0xD0000000, s2;
	s6 =	simm.s32 $0x108;
	_ =	swait.ge @!p0 [sflag:s8], $0x0  }
0x24: {  	s3 =	sadd.s32 $0x88, s3;
	s6 =	simm.s32 @!p1 $0x1082;
	[sflag:s4] =	ssyncset.s32 $0xFFFFF086  }
0x25: {  	[simem:s6], [sflag:s4] =	dma.local [hbm:s3], $0xF7A  }
0x26: {  	[smem:$0x3F9E] =	sst s1;
	(tag) =	ssettag s2;
	_ =	strace s9  }
0x27: {  	s1 =	sld [smem:$0x3FAE]  }
0x28: {  	s2 =	sld [smem:$0x3FAF]  }
0x29: {  	s4 =	sld [smem:$0x3FB1]  }
0x2a: {  	p0 =	seq.s32 s5, $0x0;
	s5 =	sld [smem:$0x3FB2]  }
0x2b: {  	s6 =	sld [smem:$0x3FB3]  }
0x2c: {  	s7 =	sld [smem:$0x3FB4]  }
0x2d: {  	s3 =	simm.s32 $0x108;
	s8 =	sld [smem:$0x3FB5]  }
0x2e: {  	s3 =	simm.s32 @!p0 $0x1082;
	s9 =	sld [smem:$0x3FB6]  }
0x2f: {  	lr =	sadd.s32 s0, s3;
	s0 =	sld [smem:$0x3FAD]  }
0x30: {  	s3 =	sld [smem:$0x3FB0]  }
0x31: {  	[smem:$0x3FB9] =	sst s10  }
0x32: {  	s10 =	sld [smem:$0x3FB7];
	_ =	sdelay $0x3  }
0x33: {  	p0 =	seq.s32 s10, $0x1;
	s10 =	sld [smem:$0x3FB9];
	_ =	sdelay $0x3  }
0x34: {  	[smem:$0x3FB9] =	sst s10  }
0x35: {  	s10 =	sld [smem:$0x3FB8];
	_ =	sdelay $0x3  }
0x36: {  	p1 =	seq.s32 s10, $0x1;
	s10 =	sld [smem:$0x3FB9];
	_ =	sdelay $0x3  }
0x37: {  	[smem:$0x3FB9] =	sst s10  }
0x38: {  	s10 =	sld [smem:$0x3FBA]  }
0x39: {  	_ = 	snop;
	(pc) =	sbr.ind lr, $3  }
0x3a: {  	_ = 	snop  }
0x3b: {  	_ = 	snop  }
0x3c: {  	p2 =	seq.s32 s10, $0x1;
	s10 =	sld [smem:$0x3FB9]  }
0x3d: {  	_ =	shalt  }
0x3e: {  	_ =	shalt  }
0x3f: {  	_ =	shalt  }
0x40: {  	_ =	shalt  }
0x41: {  	_ =	shalt  }
0x42: {  	_ =	shalt  }
0x43: {  	_ =	shalt  }
0x44: {  	_ =	shalt  }
0x45: {  	_ =	shalt  }
0x46: {  	_ =	shalt  }
0x47: {  	_ =	shalt  }
0x48: {  	_ =	shalt  }
0x49: {  	_ =	shalt  }
0x4a: {  	_ =	shalt  }
0x4b: {  	_ =	shalt  }
0x4c: {  	_ =	shalt  }
0x4d: {  	_ =	shalt  }
0x4e: {  	_ =	shalt  }
0x4f: {  	_ =	shalt  }
0x50: {  	_ =	shalt  }
0x51: {  	_ =	shalt  }
0x52: {  	_ =	shalt  }
0x53: {  	_ =	shalt  }
0x54: {  	_ =	shalt  }
0x55: {  	_ =	shalt  }
0x56: {  	_ =	shalt  }
0x57: {  	_ =	shalt  }
0x58: {  	_ =	shalt  }
0x59: {  	_ =	shalt  }
0x5a: {  	_ =	shalt  }
0x5b: {  	_ =	shalt  }
0x5c: {  	_ =	shalt  }
0x5d: {  	_ =	shalt  }
0x5e: {  	_ =	shalt  }
0x5f: {  	_ =	shalt  }
0x60: {  	_ =	shalt  }
0x61: {  	_ =	shalt  }
0x62: {  	_ =	shalt  }
0x63: {  	_ =	shalt  }
0x64: {  	_ =	shalt  }
0x65: {  	_ =	shalt  }
0x66: {  	_ =	shalt  }
0x67: {  	_ =	shalt  }
0x68: {  	_ =	shalt  }
0x69: {  	_ =	shalt  }
0x6a: {  	_ =	shalt  }
0x6b: {  	_ =	shalt  }
0x6c: {  	_ =	shalt  }
0x6d: {  	_ =	shalt  }
0x6e: {  	_ =	shalt  }
0x6f: {  	_ =	shalt  }
0x70: {  	_ =	shalt  }
0x71: {  	_ =	shalt  }
0x72: {  	_ =	shalt  }
0x73: {  	_ =	shalt  }
0x74: {  	_ =	shalt  }
0x75: {  	_ =	shalt  }
0x76: {  	_ =	shalt  }
0x77: {  	_ =	shalt  }
0x78: {  	_ =	shalt  }
0x79: {  	_ =	shalt  }
0x7a: {  	_ =	shalt  }
0x7b: {  	_ =	shalt  }
0x7c: {  	_ =	shalt  }
0x7d: {  	_ =	shalt  }
0x7e: {  	_ =	shalt  }
0x7f: {  	_ =	shalt  }
0x80: {  	_ =	shalt  }
0x81: {  	_ =	shalt  }
0x82: {  	_ =	shalt  }
0x83: {  	_ =	shalt  }
0x84: {  	_ =	shalt  }
0x85: {  	_ =	shalt  }
0x86: {  	_ =	shalt  }
0x87: {  	_ =	shalt  }
.Lfunc_end0:
.L_simem_size_0:
called_computation_lowered:
.L_overlay_start_0:
0x88: {  	s2 =	sld [smem:$0x3FD9]  }
0x89: {  	s3 =	sld [smem:$0x3FFE];
	_ =	sdelay $0x1  }
0x8a: {  	s1 =	srdreg.scid  }
0x8b: {  	s0 =	sand.u32 $0x1, s1  }
0x8c: {  	s14 =	sshll.u32 s0, $0xA;
	s2 =	sadd.s32 s3, s2  }
0x8d: {  	s2 =	sadd.s32 s2, s14  }
0x8e: {  	[smem:$0x3FC5] =	sst s2  }
0x8f: {  	_ = 	snop  }
0x90: {  	s2 =	sld [smem:$0x3FD0];
	_ =	sdelay $0x1  }
0x91: {  	s15 =	sld [smem:$0x3FC8]  }
0x92: {  	s5 =	simm.s32 $0xA;
	s6 =	simm.s32 $0x10;
	s4 =	sld [smem:$0x3FC7]  }
0x93: {  	[smem:s6], [sflag:s5] =	dma.local [hbm:s2], $0x1  }
0x94: {  	_ =	swait.eq [sflag:s5], $0x1  }
0x95: {  	[sflag:s5] =	ssyncset.done $0x0  }
0x96: {  	s16 =	sld [smem:$0x11];
	[sflag:s5] =	ssyncadd.s32 $0xFFFFFFFF  }
0x97: {  	s17 =	sld [smem:$0x12];
	(tm) =	ssettm $0x1  }
0x98: {  	s18 =	sld [smem:$0x3FFB];
	_ =	sdelay $0x3  }
0x99: {  	_ =	strace s18  }
0x9a: {  	s6 =	sld [smem:$0x3FFC];
	_ =	sdelay $0x3  }
0x9b: {  	_ =	strace s6  }
0x9c: {  	s6 =	sld [smem:$0x3FFD];
	_ =	sdelay $0x3  }
0x9d: {  	_ =	strace s6  }
0x9e: {  	_ =	strace $0x8FFFFFFF  }
0x9f: {  	s19 =	sld [smem:$0x3FDB];
	_ =	sdelay $0x1  }
0xa0: {  	s7 =	simm.s32 $_scs_section_size  }
0xa1: {  	s8 =	simm.s32 $_size__tile_overlayer_lowered;
	s9 =	simm.s32 $_tile_overlayer_lowered  }
0xa2: {  	s22 =	simm.s32 $0x1BFF;
	s21 =	sshll.u32 s9, $0x1;
	s6 =	sadd.s32 s7, s19  }
0xa3: {  	s10 =	simm.s32 $0x0;
	s20 =	sshll.u32 s8, $0x1;
	s8 =	sadd.s32 s21, s6  }
0xa4: {  	[timem:s10], [sflag:s22] =	dma.local [hbm:s8], s20  }
0xa5: {  	_ =	swait.ge [sflag:s22], s20  }
0xa6: {  	s7 =	ssub.s32 $0x0, s20;
	[sflag:s22] =	ssyncset.done $0x0  }
0xa7: {  	[sflag:s22] =	ssyncadd.s32 s7;
	_ =	sdelay $0x1  }
0xa8: {  	s23 =	simm.s32 $0x1B8B  }
0xa9: {  	_ =	swait.ge [sflag:s23], $0x1  }
0xaa: {  	[sflag:s23] =	ssyncset.done $0x0  }
0xab: {  	s25 =	simm.s32 $0x1B8E;
	s24 =	sld [smem:$0x3FFE];
	[sflag:s23] =	ssyncadd.s32 $0xFFFFFFFF  }
0xac: {  	s26 =	simm.s32 $execute0_lowered;
	[smem:$0x3FD2] =	sst s25  }
0xad: {  	s8 =	sshll.u32 s26, $0x1;
	_ =	strace $0x80000046;
	[dreg:$0x1] =	wrdreg $0xFFFFFFFF  }
0xae: {  	s28 =	simm.s32 $_size_execute0_lowered;
	s6 =	sadd.s32 s6, s8;
	[dreg:$0x0] =	wrdreg $0x0  }
0xaf: {  	s8 =	sshll.u32 s28, $0x1;
	[dreg:$0x2] =	wrdreg s6  }
0xb0: {  	[dreg:$0x3] =	wrdreg s8  }
0xb1: {  	[dreg:$0x4] =	wrdreg $0xC0  }
0xb2: {  	_ =	task [dreg:s10], $0x5FFFF  }
0xb3: {  	[dreg:$0x1] =	wrdreg $0xFFFFFFFF  }
0xb4: {  	[dreg:$0x0] =	wrdreg $0x60  }
0xb5: {  	[dreg:$0x2] =	wrdreg s15  }
0xb6: {  	[dreg:$0x3] =	wrdreg s4  }
0xb7: {  	[dreg:$0x4] =	wrdreg s16  }
0xb8: {  	[dreg:$0x5] =	wrdreg s17  }
0xb9: {  	[dreg:$0x6] =	wrdreg s24  }
0xba: {  	[dreg:$0x7] =	wrdreg $0x9  }
0xbb: {  	_ =	task.clear_ibuf [dreg:s10], $0x8FFFF;
	_ =	strace $0x90000046  }
0xbc: {  	s29 =	simm.s32 $0x9;
	_ =	strace $0x80000048  }
0xbd: {  	_ =	swait.ge [sflag:s29], $0x1  }
0xbe: {  	[sflag:s29] =	ssyncadd.s32 $0xFFFFFFFF  }
0xbf: {  	_ =	strace $0x90000048  }
0xc0: {  	_ =	sfence  }
0xc1: {  	s30 =	sld [smem:$0x0];
	_ =	sdelay $0x2  }
0xc2: {  	s31 =	sshll.u32 s1, $0xD;
	s1 =	sshrl.u32 s1, $0x2  }
0xc3: {  	s3 =	sand.u32 $0x4000, s31;
	s1 =	sadd.s32 s1, s30  }
0xc4: {  	s0 =	sor.u32 s3, s0;
	s1 =	sshll.u32 s1, $0x11  }
0xc5: {  	s0 =	sor.u32 s1, s0  }
0xc6: {  	s0 =	sadd.s32 $0x8F2B, s0  }
0xc7: {  	[sflag:s0] =	ssyncadd.remote.s32 $0x1  }
0xc8: {  	_ =	sfence.sel $0xFFFF  }
0xc9: {  	[dreg:$0x0] =	wrdreg $0xFFFFFFFF;
	(pc) =	sbr.abs _section_cstart, $3  }
0xca: {  	[dreg:$0x1] =	wrdreg $0xFFFFFFFF  }
0xcb: {  	_ =	task.clear_ibuf [dreg:s10], $0x2FFFF;
	_ =	strace $0x9FFFFFFF  }
0xcc: {  	(tm) =	ssettm $0x7FFFFFFF  }
0xcd: {  	_ =	shalt  }
tec
execute0_lowered:
.L_overlay_start_1:
0x0: {  	(tag) =	ssettag $0x1  }
0x1: {  	s1 =	rddreg [dreg:$0x0]  }
0x2: {  	s0 =	rddreg [dreg:$0x1]  }
0x3: {  	s2 =	rddreg [dreg:$0x2]  }
0x4: {  	s3 =	srdreg.scid;
	s4 =	rddreg [dreg:$0x3]  }
0x5: {  	s6 =	stileid.u32;
	s16 =	rddreg [dreg:$0x4]  }
0x6: {  	s28 =	simm.s32 $0x4F00;
	s5 =	sand.u32 $0x1, s3;
	s15 =	sshll.u32 s6, $0x1  }
0x7: {  	s29 =	simm.s32 $0x2780;
	s30 =	simm.s32 $0x7680;
	s7 =	sor.u32 s5, s15  }
0x8: {  	s31 =	simm.s32 $0x1;
	s3 =	simm.s32 $0x0;
	s7 =	smul.u32 $0xC350, s7  }
0x9: {  	s6 =	sadd.s32 $0x1600, s16;
	[smem:$0x7FF] =	sst s3;
	s5 =	ssub.s32 $0x2, s5  }
0xa: {  	_ =	strace $0x80000047;
	s8 =	sshrl.u32 s5, $0x1;
	s7 =	sshrl.u32 s7, $0x3  }
0xb: {  	s5 =	ssub.s32 s5, s8;
	s17 =	sadd.s32 $0x4E2, s7;
	s9 =	sadd.s32 s0, s7  }
0xc: {  	s19 =	sadd.s32 s2, s7;
	s20 =	sadd.s32 s4, s7;
	[dreg:$0x6] =	wrdreg s9  }
0xd: {  	s21 =	sadd.s32 s6, s7;
	s22 =	sadd.s32 $0x9C4, s7;
	[dreg:$0x8] =	wrdreg s19  }
0xe: {  	s24 =	sadd.s32 $0xEA6, s7;
	s7 =	sadd.s32 $0x1388, s7;
	[dreg:$0x9] =	wrdreg s20  }
0xf: {  	s18 =	sadd.s32 s0, s17;
	[dreg:$0xa] =	wrdreg s21;
	s10 =	sadd.s32 s0, s22  }
0x10: {  	s23 =	sadd.s32 s2, s17;
	s11 =	sadd.s32 s4, s17;
	[dreg:$0x7] =	wrdreg s18  }
0x11: {  	s8 =	sadd.s32 s6, s17;
	s25 =	sadd.s32 s0, s24;
	[dreg:$0xb] =	wrdreg s10  }
0x12: {  	s26 =	sadd.s32 s2, s22;
	s15 =	sadd.s32 s4, s22;
	[dreg:$0xc] =	wrdreg s23  }
0x13: {  	s16 =	sadd.s32 s6, s22;
	s17 =	sadd.s32 s0, s7;
	[dreg:$0xd] =	wrdreg s11  }
0x14: {  	s19 =	sadd.s32 s4, s24;
	s20 =	sadd.s32 s6, s24;
	[dreg:$0xe] =	wrdreg s8  }
0x15: {  	s21 =	sadd.s32 s2, s7;
	s22 =	sadd.s32 s4, s7;
	[dreg:$0xf] =	wrdreg s25  }
0x16: {  	s0 =	simm.s32 $0xED00;
	s4 =	simm.s32 $0x2;
	[dreg:$0x10] =	wrdreg s26  }
0x17: {  	s18 =	sadd.s32 s2, s24;
	s23 =	sadd.s32 s6, s7;
	s24 =	smax.u32 s5, $0x1  }
0x18: {  	s25 =	simm.s32 $0x3;
	s26 =	simm.s32 $0x2710;
	s2 =	simm.s32 $0x9E00  }
0x19: {  	v0 =	vimm.f32 $0.0e+00;
	s5 =	simm.s32 $0xC580;
	s6 =	simm.s32 $0x11480;
	s7 =	simm.s32 $0x0  }
.LBB2_1:
0x1a: {  	s8 =	rddreg [dreg:$0x6]  }
0x1b: {  	[tilespmem:s3], [sflag:$0x3] =	stream.linear.gather [hbm4b:s8+s3], $0x2710, $0x38;
	[tilespmem:$0x13C00] =	vst v63  }
0x1c: {  	_ =	swait.ge [sflag:s25], $0x2710  }
0x1d: {  	[sflag:s25] =	ssyncset.done $0x0  }
0x1e: {  	[sflag:s25] =	ssyncadd.s32 $0xFFFFD8F0  }
0x1f: {  	[tilespmem:s28], [sflag:$0x1] =	stream.indirect.gather [hbm4b:s1+s26], $0x1, s3, s26, $0xb8;
	[tilespmem:$0x13C00] =	vst v63  }
0x20: {  	s14 =	rddreg [dreg:$0x7]  }
0x21: {  	[tilespmem:s29], [sflag:$0x3] =	stream.linear.gather [hbm4b:s14+s3], $0x2710, $0x38;
	[tilespmem:$0x13C00] =	vst v63  }
0x22: {  	_ =	swait.ge [sflag:s25], $0x2710  }
0x23: {  	[sflag:s25] =	ssyncset.done $0x0  }
0x24: {  	[sflag:s25] =	ssyncadd.s32 $0xFFFFD8F0  }
0x25: {  	[tilespmem:s30], [sflag:$0x1] =	stream.indirect.gather [hbm4b:s1+s26], $0x1, s29, s26, $0xb8;
	[tilespmem:$0x13C00] =	vst v63  }
0x26: {  	_ =	swait.ge [sflag:s31], $0x2710  }
0x27: {  	[sflag:s31] =	ssyncset.done $0x0  }
0x28: {  	s11 =	simm.s32 $0x0;
	[sflag:s31] =	ssyncadd.s32 $0xFFFFD8F0  }
0x29: {  	v4 =	vld [tilespmem:s11+$0x4F00];
	_ =	sdelay $0x4  }
0x2a: {  	s9 =	simm.s32 $0x10;
	v1 =	vmul.f32 $1.963495370e+00, v4  }
0x2b: {  	v3 =	vld [tilespmem:s9+$0x4F00]  }
0x2c: {  	v6 =	vmul.f32 v1, v1;
	_ =	sdelay $0x1  }
0x2d: {  	v1 =	vmul.f32 $2.480158760e-05, v6;
	_ =	sdelay $0x1  }
0x2e: {  	s8 =	simm.s32 $0x20;
	v2 =	vmul.f32 $1.963495370e+00, v3;
	v5 =	vadd.f32 $-1.388888920e-03, v1  }
0x2f: {  	v1 =	vld [tilespmem:s8+$0x4F00]  }
0x30: {  	v8 =	vmul.f32 v2, v2;
	v2 =	vmul.f32 v5, v6;
	_ =	sdelay $0x1  }
0x31: {  	v5 =	vmul.f32 $2.480158760e-05, v8;
	v7 =	vadd.f32 $4.166666790e-02, v2  }
0x32: {  	s10 =	simm.s32 $0x30  }
0x33: {  	v2 =	vld [tilespmem:s10+$0x4F00];
	v10 =	vadd.f32 $-1.388888920e-03, v5;
	v9 =	vmul.f32 $1.963495370e+00, v1;
	v7 =	vmul.f32 v7, v6;
	_ =	sdelay $0x1  }
0x34: {  	v5 =	vmul.f32 v9, v9;
	v9 =	vmul.f32 v10, v8;
	v7 =	vadd.f32 $-5.000000000e-01, v7;
	_ =	sdelay $0x1  }
0x35: {  	v10 =	vmul.f32 $2.480158760e-05, v5;
	v9 =	vadd.f32 $4.166666790e-02, v9;
	v6 =	vmul.f32 v7, v6  }
0x36: {  	s12 =	simm.s32 $0x40;
	vm0 =	vlt.f32 v4, $8.000000110e-01;
	v7 =	vmul.f32 $1.963495370e+00, v2  }
0x37: {  	v4 =	vld [tilespmem:s12+$0x4F00];
	v10 =	vadd.f32 $-1.388888920e-03, v10;
	v9 =	vmul.f32 v9, v8;
	v11 =	vadd.f32 $1.000000000e+00, v6  }
0x38: {  	v6 =	vmul.f32 v7, v7  }
0x39: {  	v10 =	vmul.f32 v10, v5;
	v9 =	vadd.f32 $-5.000000000e-01, v9;
	v11 =	vmul.f32 v11, v11  }
0x3a: {  	v7 =	vmul.f32 $2.480158760e-05, v6  }
0x3b: {  	s13 =	simm.s32 $0x140;
	v10 =	vadd.f32 $4.166666790e-02, v10;
	v8 =	vmul.f32 v9, v8;
	v9 =	vnsel vm0, $0x0, v11  }
.LBB2_2:
0x3c: {  	s14 =	sshra.s32 s13, $0x2;
	v11 =	vmul.f32 $1.963495370e+00, v4;
	[tilespmem:s11+$0x9E00] =	vst v9;
	v9 =	vsel vm0, $0x3F800000, v0;
	v12 =	vmov v4;
	p0 =	sne.s32 s13, $0x9C00  }
.Ltmp0:
0x3d: {  	s13 =	sadd.s32 $0x40, s13;
	v7 =	vadd.f32 $-1.388888920e-03, v7;
	v4 =	vld [tilespmem:s14+$0x4F00];
	v10 =	vmul.f32 v10, v5;
	v8 =	vadd.f32 $1.000000000e+00, v8;
	[tilespmem:s11+$0xED00] =	vst v9;
	(pc) =	sbr.rel @p0 .LBB2_2-.Ltmp0, $4  }
0x3e: {  	s11 =	smov.u32 s9;
	s9 =	smov.u32 s8;
	s8 =	smov.u32 s10;
	v11 =	vmul.f32 v11, v11  }
0x3f: {  	s10 =	smov.u32 s12;
	s12 =	smov.u32 s14;
	v9 =	vmul.f32 v7, v6;
	v13 =	vadd.f32 $-5.000000000e-01, v10;
	v14 =	vmul.f32 v8, v8  }
0x40: {  	vm0 =	vlt.f32 v3, $8.000000110e-01;
	v3 =	vmovc v1;
	v1 =	vmovc v2;
	v2 =	vmov v12;
	v7 =	vmul.f32 $2.480158760e-05, v11  }
0x41: {  	v10 =	vadd.f32 $4.166666790e-02, v9;
	v8 =	vmul.f32 v13, v5;
	v9 =	vnsel vm0, $0x0, v14;
	v5 =	vmovc v6;
	v6 =	vmovc v11  }
0x42: {  	v11 =	vmul.f32 $1.963495370e+00, v4;
	_ =	sdelay $0x1  }
0x43: {  	v11 =	vmul.f32 v11, v11;
	_ =	sdelay $0x1  }
0x44: {  	v7 =	vadd.f32 $-1.388888920e-03, v7;
	v12 =	vmul.f32 $2.480158760e-05, v11;
	_ =	sdelay $0x1  }
0x45: {  	v7 =	vmul.f32 v7, v6;
	v12 =	vadd.f32 $-1.388888920e-03, v12;
	_ =	sdelay $0x1  }
0x46: {  	v10 =	vmul.f32 v10, v5;
	v7 =	vadd.f32 $4.166666790e-02, v7;
	v12 =	vmul.f32 v12, v11;
	_ =	sdelay $0x1  }
0x47: {  	v10 =	vadd.f32 $-5.000000000e-01, v10;
	v7 =	vmul.f32 v7, v6;
	v12 =	vadd.f32 $4.166666790e-02, v12  }
0x48: {  	v8 =	vadd.f32 $1.000000000e+00, v8  }
0x49: {  	v5 =	vmul.f32 v10, v5;
	v7 =	vadd.f32 $-5.000000000e-01, v7;
	v10 =	vmul.f32 v12, v11  }
0x4a: {  	vm1 =	vlt.f32 v3, $8.000000110e-01;
	v8 =	vmul.f32 v8, v8  }
0x4b: {  	v3 =	vadd.f32 $1.000000000e+00, v5;
	v5 =	vmul.f32 v7, v6;
	v6 =	vadd.f32 $-5.000000000e-01, v10  }
0x4c: {  	[tilespmem:s11+$0x9E00] =	vst v9;
	v8 =	vnsel vm1, $0x0, v8;
	v7 =	vsel vm0, $0x3F800000, v0  }
0x4d: {  	v3 =	vmul.f32 v3, v3;
	[tilespmem:s11+$0xED00] =	vst v7;
	v5 =	vadd.f32 $1.000000000e+00, v5;
	v6 =	vmul.f32 v6, v11  }
0x4e: {  	vm0 =	vlt.f32 v1, $8.000000110e-01;
	v7 =	vsel vm1, $0x3F800000, v0;
	[tilespmem:s9+$0x9E00] =	vst v8  }
0x4f: {  	v1 =	vnsel vm0, $0x0, v3;
	[tilespmem:s9+$0xED00] =	vst v7;
	v3 =	vmul.f32 v5, v5;
	v5 =	vadd.f32 $1.000000000e+00, v6  }
0x50: {  	[tilespmem:s8+$0x9E00] =	vst v1;
	v1 =	vsel vm0, $0x3F800000, v0;
	vm0 =	vlt.f32 v2, $8.000000110e-01  }
0x51: {  	[tilespmem:s8+$0xED00] =	vst v1;
	v1 =	vnsel vm0, $0x0, v3;
	v2 =	vmul.f32 v5, v5  }
0x52: {  	[tilespmem:s10+$0x9E00] =	vst v1;
	v1 =	vsel vm0, $0x3F800000, v0;
	vm0 =	vlt.f32 v4, $8.000000110e-01  }
0x53: {  	[tilespmem:s10+$0xED00] =	vst v1;
	v1 =	vnsel vm0, $0x0, v2  }
0x54: {  	[tilespmem:s12+$0x9E00] =	vst v1;
	v1 =	vsel vm0, $0x3F800000, v0  }
0x55: {  	s11 =	rddreg [dreg:$0x8];
	s10 =	simm.s32 $0x0;
	[tilespmem:s12+$0xED00] =	vst v1  }
0x56: {  	[hbm4b:s11+s10] =	stream.linear.scatter [tilespmem:s28], [sflag:$0x2], $0x2710, $0x38;
	[tilespmem:$0x13C00] =	vst v63  }
0x57: {  	s12 =	rddreg [dreg:$0x9]  }
0x58: {  	[hbm4b:s12+s10] =	stream.linear.scatter [tilespmem:s2], [sflag:$0x2], $0x2710, $0x38;
	[tilespmem:$0x13C00] =	vst v63  }
0x59: {  	s13 =	rddreg [dreg:$0xa]  }
0x5a: {  	[hbm4b:s13+s10] =	stream.linear.scatter [tilespmem:s0], [sflag:$0x2], $0x2710, $0x38;
	[tilespmem:$0x13C00] =	vst v63  }
0x5b: {  	_ =	swait.ge [sflag:s4], $0x2710  }
0x5c: {  	[sflag:s4] =	ssyncset.done $0x0  }
0x5d: {  	[sflag:s4] =	ssyncadd.s32 $0xFFFFD8F0  }
0x5e: {  	_ =	swait.ge [sflag:s4], $0x2710  }
0x5f: {  	[sflag:s4] =	ssyncset.done $0x0  }
0x60: {  	[sflag:s4] =	ssyncadd.s32 $0xFFFFD8F0  }
0x61: {  	_ =	swait.ge [sflag:s4], $0x2710  }
0x62: {  	[sflag:s4] =	ssyncset.done $0x0  }
0x63: {  	s14 =	rddreg [dreg:$0xb];
	[sflag:s4] =	ssyncadd.s32 $0xFFFFD8F0  }
0x64: {  	[tilespmem:s10], [sflag:$0x3] =	stream.linear.gather [hbm4b:s14+s10], $0x2710, $0x38;
	[tilespmem:$0x13C00] =	vst v63  }
0x65: {  	_ =	swait.ge [sflag:s25], $0x2710  }
0x66: {  	[sflag:s25] =	ssyncset.done $0x0  }
0x67: {  	[sflag:s25] =	ssyncadd.s32 $0xFFFFD8F0  }
0x68: {  	[tilespmem:s28], [sflag:$0x1] =	stream.indirect.gather [hbm4b:s1+s26], $0x1, s10, s26, $0xb8;
	[tilespmem:$0x13C00] =	vst v63  }
0x69: {  	_ =	swait.ge [sflag:s31], $0x2710  }
0x6a: {  	[sflag:s31] =	ssyncset.done $0x0  }
0x6b: {  	s11 =	simm.s32 $0x0;
	[sflag:s31] =	ssyncadd.s32 $0xFFFFD8F0  }
0x6c: {  	v4 =	vld [tilespmem:s11+$0x7680];
	_ =	sdelay $0x4  }
0x6d: {  	s9 =	simm.s32 $0x10;
	v1 =	vmul.f32 $1.963495370e+00, v4  }
0x6e: {  	v3 =	vld [tilespmem:s9+$0x7680]  }
0x6f: {  	v6 =	vmul.f32 v1, v1;
	_ =	sdelay $0x1  }
0x70: {  	v1 =	vmul.f32 $2.480158760e-05, v6;
	_ =	sdelay $0x1  }
0x71: {  	s8 =	simm.s32 $0x20;
	v2 =	vmul.f32 $1.963495370e+00, v3;
	v5 =	vadd.f32 $-1.388888920e-03, v1  }
0x72: {  	v1 =	vld [tilespmem:s8+$0x7680]  }
0x73: {  	v8 =	vmul.f32 v2, v2;
	v2 =	vmul.f32 v5, v6;
	_ =	sdelay $0x1  }
0x74: {  	v5 =	vmul.f32 $2.480158760e-05, v8;
	v7 =	vadd.f32 $4.166666790e-02, v2  }
0x75: {  	s10 =	simm.s32 $0x30  }
0x76: {  	v2 =	vld [tilespmem:s10+$0x7680];
	v10 =	vadd.f32 $-1.388888920e-03, v5;
	v9 =	vmul.f32 $1.963495370e+00, v1;
	v7 =	vmul.f32 v7, v6;
	_ =	sdelay $0x1  }
0x77: {  	v5 =	vmul.f32 v9, v9;
	v9 =	vmul.f32 v10, v8;
	v7 =	vadd.f32 $-5.000000000e-01, v7;
	_ =	sdelay $0x1  }
0x78: {  	v10 =	vmul.f32 $2.480158760e-05, v5;
	v9 =	vadd.f32 $4.166666790e-02, v9;
	v6 =	vmul.f32 v7, v6  }
0x79: {  	s12 =	simm.s32 $0x40;
	vm0 =	vlt.f32 v4, $8.000000110e-01;
	v7 =	vmul.f32 $1.963495370e+00, v2  }
0x7a: {  	v4 =	vld [tilespmem:s12+$0x7680];
	v10 =	vadd.f32 $-1.388888920e-03, v10;
	v9 =	vmul.f32 v9, v8;
	v11 =	vadd.f32 $1.000000000e+00, v6  }
0x7b: {  	v6 =	vmul.f32 v7, v7  }
0x7c: {  	v10 =	vmul.f32 v10, v5;
	v9 =	vadd.f32 $-5.000000000e-01, v9;
	v11 =	vmul.f32 v11, v11  }
0x7d: {  	v7 =	vmul.f32 $2.480158760e-05, v6  }
0x7e: {  	s13 =	simm.s32 $0x140;
	v10 =	vadd.f32 $4.166666790e-02, v10;
	v8 =	vmul.f32 v9, v8;
	v9 =	vnsel vm0, $0x0, v11  }
.LBB2_4:
0x7f: {  	s14 =	sshra.s32 s13, $0x2;
	v11 =	vmul.f32 $1.963495370e+00, v4;
	[tilespmem:s11+$0xC580] =	vst v9;
	v9 =	vsel vm0, $0x3F800000, v0;
	v12 =	vmov v4;
	p0 =	sne.s32 s13, $0x9C00  }
.Ltmp1:
0x80: {  	s13 =	sadd.s32 $0x40, s13;
	v7 =	vadd.f32 $-1.388888920e-03, v7;
	v4 =	vld [tilespmem:s14+$0x7680];
	v10 =	vmul.f32 v10, v5;
	v8 =	vadd.f32 $1.000000000e+00, v8;
	[tilespmem:s11+$0x11480] =	vst v9;
	(pc) =	sbr.rel @p0 .LBB2_4-.Ltmp1, $4  }
0x81: {  	s11 =	smov.u32 s9;
	s9 =	smov.u32 s8;
	s8 =	smov.u32 s10;
	v11 =	vmul.f32 v11, v11  }
0x82: {  	s10 =	smov.u32 s12;
	s12 =	smov.u32 s14;
	v9 =	vmul.f32 v7, v6;
	v13 =	vadd.f32 $-5.000000000e-01, v10;
	v14 =	vmul.f32 v8, v8  }
0x83: {  	vm0 =	vlt.f32 v3, $8.000000110e-01;
	v3 =	vmovc v1;
	v1 =	vmovc v2;
	v2 =	vmov v12;
	v7 =	vmul.f32 $2.480158760e-05, v11  }
0x84: {  	v10 =	vadd.f32 $4.166666790e-02, v9;
	v8 =	vmul.f32 v13, v5;
	v9 =	vnsel vm0, $0x0, v14;
	v5 =	vmovc v6;
	v6 =	vmovc v11  }
0x85: {  	v11 =	vmul.f32 $1.963495370e+00, v4;
	_ =	sdelay $0x1  }
0x86: {  	v11 =	vmul.f32 v11, v11;
	_ =	sdelay $0x1  }
0x87: {  	v7 =	vadd.f32 $-1.388888920e-03, v7;
	v12 =	vmul.f32 $2.480158760e-05, v11;
	_ =	sdelay $0x1  }
0x88: {  	v7 =	vmul.f32 v7, v6;
	v12 =	vadd.f32 $-1.388888920e-03, v12;
	_ =	sdelay $0x1  }
0x89: {  	v10 =	vmul.f32 v10, v5;
	v7 =	vadd.f32 $4.166666790e-02, v7;
	v12 =	vmul.f32 v12, v11;
	_ =	sdelay $0x1  }
0x8a: {  	v10 =	vadd.f32 $-5.000000000e-01, v10;
	v7 =	vmul.f32 v7, v6;
	v12 =	vadd.f32 $4.166666790e-02, v12  }
0x8b: {  	v8 =	vadd.f32 $1.000000000e+00, v8  }
0x8c: {  	v5 =	vmul.f32 v10, v5;
	v7 =	vadd.f32 $-5.000000000e-01, v7;
	v10 =	vmul.f32 v12, v11  }
0x8d: {  	vm1 =	vlt.f32 v3, $8.000000110e-01;
	v8 =	vmul.f32 v8, v8  }
0x8e: {  	v3 =	vadd.f32 $1.000000000e+00, v5;
	v5 =	vmul.f32 v7, v6;
	v6 =	vadd.f32 $-5.000000000e-01, v10  }
0x8f: {  	[tilespmem:s11+$0xC580] =	vst v9;
	v8 =	vnsel vm1, $0x0, v8;
	v7 =	vsel vm0, $0x3F800000, v0  }
0x90: {  	v3 =	vmul.f32 v3, v3;
	[tilespmem:s11+$0x11480] =	vst v7;
	v5 =	vadd.f32 $1.000000000e+00, v5;
	v6 =	vmul.f32 v6, v11  }
0x91: {  	vm0 =	vlt.f32 v1, $8.000000110e-01;
	v7 =	vsel vm1, $0x3F800000, v0;
	[tilespmem:s9+$0xC580] =	vst v8  }
0x92: {  	v1 =	vnsel vm0, $0x0, v3;
	[tilespmem:s9+$0x11480] =	vst v7;
	v3 =	vmul.f32 v5, v5;
	v5 =	vadd.f32 $1.000000000e+00, v6  }
0x93: {  	[tilespmem:s8+$0xC580] =	vst v1;
	v1 =	vsel vm0, $0x3F800000, v0;
	vm0 =	vlt.f32 v2, $8.000000110e-01  }
0x94: {  	[tilespmem:s8+$0x11480] =	vst v1;
	v1 =	vnsel vm0, $0x0, v3;
	v2 =	vmul.f32 v5, v5  }
0x95: {  	[tilespmem:s10+$0xC580] =	vst v1;
	v1 =	vsel vm0, $0x3F800000, v0;
	vm0 =	vlt.f32 v4, $8.000000110e-01  }
0x96: {  	[tilespmem:s10+$0x11480] =	vst v1;
	v1 =	vnsel vm0, $0x0, v2  }
0x97: {  	[tilespmem:s12+$0xC580] =	vst v1;
	v1 =	vsel vm0, $0x3F800000, v0  }
0x98: {  	s11 =	rddreg [dreg:$0xc];
	s10 =	simm.s32 $0x0;
	[tilespmem:s12+$0x11480] =	vst v1  }
0x99: {  	[hbm4b:s11+s10] =	stream.linear.scatter [tilespmem:s30], [sflag:$0x2], $0x2710, $0x38;
	[tilespmem:$0x13C00] =	vst v63  }
0x9a: {  	s12 =	rddreg [dreg:$0xd]  }
0x9b: {  	[hbm4b:s12+s10] =	stream.linear.scatter [tilespmem:s5], [sflag:$0x2], $0x2710, $0x38;
	[tilespmem:$0x13C00] =	vst v63  }
0x9c: {  	s13 =	rddreg [dreg:$0xe]  }
0x9d: {  	[hbm4b:s13+s10] =	stream.linear.scatter [tilespmem:s6], [sflag:$0x2], $0x2710, $0x38;
	[tilespmem:$0x13C00] =	vst v63  }
0x9e: {  	_ =	swait.ge [sflag:s4], $0x2710  }
0x9f: {  	[sflag:s4] =	ssyncset.done $0x0  }
0xa0: {  	[sflag:s4] =	ssyncadd.s32 $0xFFFFD8F0  }
0xa1: {  	_ =	swait.ge [sflag:s4], $0x2710  }
0xa2: {  	[sflag:s4] =	ssyncset.done $0x0  }
0xa3: {  	[sflag:s4] =	ssyncadd.s32 $0xFFFFD8F0  }
0xa4: {  	_ =	swait.ge [sflag:s4], $0x2710  }
0xa5: {  	[sflag:s4] =	ssyncset.done $0x0  }
0xa6: {  	s14 =	rddreg [dreg:$0xf];
	[sflag:s4] =	ssyncadd.s32 $0xFFFFD8F0  }
0xa7: {  	[tilespmem:s29], [sflag:$0x3] =	stream.linear.gather [hbm4b:s14+s10], $0x2710, $0x38;
	[tilespmem:$0x13C00] =	vst v63  }
0xa8: {  	_ =	swait.ge [sflag:s25], $0x2710  }
0xa9: {  	[sflag:s25] =	ssyncset.done $0x0  }
0xaa: {  	[sflag:s25] =	ssyncadd.s32 $0xFFFFD8F0  }
0xab: {  	[tilespmem:s30], [sflag:$0x1] =	stream.indirect.gather [hbm4b:s1+s26], $0x1, s29, s26, $0xb8;
	[tilespmem:$0x13C00] =	vst v63  }
0xac: {  	_ =	swait.ge [sflag:s31], $0x2710  }
0xad: {  	[sflag:s31] =	ssyncset.done $0x0  }
0xae: {  	s11 =	simm.s32 $0x0;
	[sflag:s31] =	ssyncadd.s32 $0xFFFFD8F0  }
0xaf: {  	v4 =	vld [tilespmem:s11+$0x4F00];
	_ =	sdelay $0x4  }
0xb0: {  	s9 =	simm.s32 $0x10;
	v1 =	vmul.f32 $1.963495370e+00, v4  }
0xb1: {  	v3 =	vld [tilespmem:s9+$0x4F00]  }
0xb2: {  	v6 =	vmul.f32 v1, v1;
	_ =	sdelay $0x1  }
0xb3: {  	v1 =	vmul.f32 $2.480158760e-05, v6;
	_ =	sdelay $0x1  }
0xb4: {  	s8 =	simm.s32 $0x20;
	v2 =	vmul.f32 $1.963495370e+00, v3;
	v5 =	vadd.f32 $-1.388888920e-03, v1  }
0xb5: {  	v1 =	vld [tilespmem:s8+$0x4F00]  }
0xb6: {  	v8 =	vmul.f32 v2, v2;
	v2 =	vmul.f32 v5, v6;
	_ =	sdelay $0x1  }
0xb7: {  	v5 =	vmul.f32 $2.480158760e-05, v8;
	v7 =	vadd.f32 $4.166666790e-02, v2  }
0xb8: {  	s10 =	simm.s32 $0x30  }
0xb9: {  	v2 =	vld [tilespmem:s10+$0x4F00];
	v10 =	vadd.f32 $-1.388888920e-03, v5;
	v9 =	vmul.f32 $1.963495370e+00, v1;
	v7 =	vmul.f32 v7, v6;
	_ =	sdelay $0x1  }
0xba: {  	v5 =	vmul.f32 v9, v9;
	v9 =	vmul.f32 v10, v8;
	v7 =	vadd.f32 $-5.000000000e-01, v7;
	_ =	sdelay $0x1  }
0xbb: {  	v10 =	vmul.f32 $2.480158760e-05, v5;
	v9 =	vadd.f32 $4.166666790e-02, v9;
	v6 =	vmul.f32 v7, v6  }
0xbc: {  	s12 =	simm.s32 $0x40;
	vm0 =	vlt.f32 v4, $8.000000110e-01;
	v7 =	vmul.f32 $1.963495370e+00, v2  }
0xbd: {  	v4 =	vld [tilespmem:s12+$0x4F00];
	v10 =	vadd.f32 $-1.388888920e-03, v10;
	v9 =	vmul.f32 v9, v8;
	v11 =	vadd.f32 $1.000000000e+00, v6  }
0xbe: {  	v6 =	vmul.f32 v7, v7  }
0xbf: {  	v10 =	vmul.f32 v10, v5;
	v9 =	vadd.f32 $-5.000000000e-01, v9;
	v11 =	vmul.f32 v11, v11  }
0xc0: {  	v7 =	vmul.f32 $2.480158760e-05, v6  }
0xc1: {  	s13 =	simm.s32 $0x140;
	v10 =	vadd.f32 $4.166666790e-02, v10;
	v8 =	vmul.f32 v9, v8;
	v9 =	vnsel vm0, $0x0, v11  }
.LBB2_6:
0xc2: {  	s14 =	sshra.s32 s13, $0x2;
	v11 =	vmul.f32 $1.963495370e+00, v4;
	[tilespmem:s11+$0x9E00] =	vst v9;
	v9 =	vsel vm0, $0x3F800000, v0;
	v12 =	vmov v4;
	p0 =	sne.s32 s13, $0x9C00  }
.Ltmp2:
0xc3: {  	s13 =	sadd.s32 $0x40, s13;
	v7 =	vadd.f32 $-1.388888920e-03, v7;
	v4 =	vld [tilespmem:s14+$0x4F00];
	v10 =	vmul.f32 v10, v5;
	v8 =	vadd.f32 $1.000000000e+00, v8;
	[tilespmem:s11+$0xED00] =	vst v9;
	(pc) =	sbr.rel @p0 .LBB2_6-.Ltmp2, $4  }
0xc4: {  	s11 =	smov.u32 s9;
	s9 =	smov.u32 s8;
	s8 =	smov.u32 s10;
	v11 =	vmul.f32 v11, v11  }
0xc5: {  	s10 =	smov.u32 s12;
	s12 =	smov.u32 s14;
	v9 =	vmul.f32 v7, v6;
	v13 =	vadd.f32 $-5.000000000e-01, v10;
	v14 =	vmul.f32 v8, v8  }
0xc6: {  	vm0 =	vlt.f32 v3, $8.000000110e-01;
	v3 =	vmovc v1;
	v1 =	vmovc v2;
	v2 =	vmov v12;
	v7 =	vmul.f32 $2.480158760e-05, v11  }
0xc7: {  	v10 =	vadd.f32 $4.166666790e-02, v9;
	v8 =	vmul.f32 v13, v5;
	v9 =	vnsel vm0, $0x0, v14;
	v5 =	vmovc v6;
	v6 =	vmovc v11  }
0xc8: {  	v11 =	vmul.f32 $1.963495370e+00, v4;
	_ =	sdelay $0x1  }
0xc9: {  	v11 =	vmul.f32 v11, v11;
	_ =	sdelay $0x1  }
0xca: {  	v7 =	vadd.f32 $-1.388888920e-03, v7;
	v12 =	vmul.f32 $2.480158760e-05, v11;
	_ =	sdelay $0x1  }
0xcb: {  	v7 =	vmul.f32 v7, v6;
	v12 =	vadd.f32 $-1.388888920e-03, v12;
	_ =	sdelay $0x1  }
0xcc: {  	v10 =	vmul.f32 v10, v5;
	v7 =	vadd.f32 $4.166666790e-02, v7;
	v12 =	vmul.f32 v12, v11;
	_ =	sdelay $0x1  }
0xcd: {  	v10 =	vadd.f32 $-5.000000000e-01, v10;
	v7 =	vmul.f32 v7, v6;
	v12 =	vadd.f32 $4.166666790e-02, v12  }
0xce: {  	v8 =	vadd.f32 $1.000000000e+00, v8  }
0xcf: {  	v5 =	vmul.f32 v10, v5;
	v7 =	vadd.f32 $-5.000000000e-01, v7;
	v10 =	vmul.f32 v12, v11  }
0xd0: {  	vm1 =	vlt.f32 v3, $8.000000110e-01;
	v8 =	vmul.f32 v8, v8  }
0xd1: {  	v3 =	vadd.f32 $1.000000000e+00, v5;
	v5 =	vmul.f32 v7, v6;
	v6 =	vadd.f32 $-5.000000000e-01, v10  }
0xd2: {  	[tilespmem:s11+$0x9E00] =	vst v9;
	v8 =	vnsel vm1, $0x0, v8;
	v7 =	vsel vm0, $0x3F800000, v0  }
0xd3: {  	v3 =	vmul.f32 v3, v3;
	[tilespmem:s11+$0xED00] =	vst v7;
	v5 =	vadd.f32 $1.000000000e+00, v5;
	v6 =	vmul.f32 v6, v11  }
0xd4: {  	vm0 =	vlt.f32 v1, $8.000000110e-01;
	v7 =	vsel vm1, $0x3F800000, v0;
	[tilespmem:s9+$0x9E00] =	vst v8  }
0xd5: {  	v1 =	vnsel vm0, $0x0, v3;
	[tilespmem:s9+$0xED00] =	vst v7;
	v3 =	vmul.f32 v5, v5;
	v5 =	vadd.f32 $1.000000000e+00, v6  }
0xd6: {  	[tilespmem:s8+$0x9E00] =	vst v1;
	v1 =	vsel vm0, $0x3F800000, v0;
	vm0 =	vlt.f32 v2, $8.000000110e-01  }
0xd7: {  	[tilespmem:s8+$0xED00] =	vst v1;
	v1 =	vnsel vm0, $0x0, v3;
	v2 =	vmul.f32 v5, v5  }
0xd8: {  	[tilespmem:s10+$0x9E00] =	vst v1;
	v1 =	vsel vm0, $0x3F800000, v0;
	vm0 =	vlt.f32 v4, $8.000000110e-01  }
0xd9: {  	[tilespmem:s10+$0xED00] =	vst v1;
	v1 =	vnsel vm0, $0x0, v2  }
0xda: {  	[tilespmem:s12+$0x9E00] =	vst v1;
	v1 =	vsel vm0, $0x3F800000, v0  }
0xdb: {  	s13 =	simm.s32 $0x0;
	s14 =	rddreg [dreg:$0x10];
	[tilespmem:s12+$0xED00] =	vst v1  }
0xdc: {  	[hbm4b:s14+s13] =	stream.linear.scatter [tilespmem:s28], [sflag:$0x2], $0x2710, $0x38;
	[tilespmem:$0x13C00] =	vst v63  }
0xdd: {  	_ = 	snop  }
0xde: {  	[hbm4b:s15+s13] =	stream.linear.scatter [tilespmem:s2], [sflag:$0x2], $0x2710, $0x38;
	[tilespmem:$0x13C00] =	vst v63  }
0xdf: {  	_ = 	snop  }
0xe0: {  	[hbm4b:s16+s13] =	stream.linear.scatter [tilespmem:s0], [sflag:$0x2], $0x2710, $0x38;
	[tilespmem:$0x13C00] =	vst v63  }
0xe1: {  	_ =	swait.ge [sflag:s4], $0x2710  }
0xe2: {  	[sflag:s4] =	ssyncset.done $0x0  }
0xe3: {  	[sflag:s4] =	ssyncadd.s32 $0xFFFFD8F0  }
0xe4: {  	_ =	swait.ge [sflag:s4], $0x2710  }
0xe5: {  	[sflag:s4] =	ssyncset.done $0x0  }
0xe6: {  	[sflag:s4] =	ssyncadd.s32 $0xFFFFD8F0  }
0xe7: {  	_ =	swait.ge [sflag:s4], $0x2710  }
0xe8: {  	[sflag:s4] =	ssyncset.done $0x0  }
0xe9: {  	[sflag:s4] =	ssyncadd.s32 $0xFFFFD8F0  }
0xea: {  	[tilespmem:s13], [sflag:$0x3] =	stream.linear.gather [hbm4b:s17+s13], $0x2710, $0x38;
	[tilespmem:$0x13C00] =	vst v63  }
0xeb: {  	_ =	swait.ge [sflag:s25], $0x2710  }
0xec: {  	[sflag:s25] =	ssyncset.done $0x0  }
0xed: {  	[sflag:s25] =	ssyncadd.s32 $0xFFFFD8F0  }
0xee: {  	[tilespmem:s28], [sflag:$0x1] =	stream.indirect.gather [hbm4b:s1+s26], $0x1, s13, s26, $0xb8;
	[tilespmem:$0x13C00] =	vst v63  }
0xef: {  	_ =	swait.ge [sflag:s31], $0x2710  }
0xf0: {  	[sflag:s31] =	ssyncset.done $0x0  }
0xf1: {  	s11 =	simm.s32 $0x0;
	[sflag:s31] =	ssyncadd.s32 $0xFFFFD8F0  }
0xf2: {  	v4 =	vld [tilespmem:s11+$0x7680];
	_ =	sdelay $0x4  }
0xf3: {  	s9 =	simm.s32 $0x10;
	v1 =	vmul.f32 $1.963495370e+00, v4  }
0xf4: {  	v3 =	vld [tilespmem:s9+$0x7680]  }
0xf5: {  	v6 =	vmul.f32 v1, v1;
	_ =	sdelay $0x1  }
0xf6: {  	v1 =	vmul.f32 $2.480158760e-05, v6;
	_ =	sdelay $0x1  }
0xf7: {  	s8 =	simm.s32 $0x20;
	v2 =	vmul.f32 $1.963495370e+00, v3;
	v5 =	vadd.f32 $-1.388888920e-03, v1  }
0xf8: {  	v1 =	vld [tilespmem:s8+$0x7680]  }
0xf9: {  	v8 =	vmul.f32 v2, v2;
	v2 =	vmul.f32 v5, v6;
	_ =	sdelay $0x1  }
0xfa: {  	v5 =	vmul.f32 $2.480158760e-05, v8;
	v7 =	vadd.f32 $4.166666790e-02, v2  }
0xfb: {  	s10 =	simm.s32 $0x30  }
0xfc: {  	v2 =	vld [tilespmem:s10+$0x7680];
	v10 =	vadd.f32 $-1.388888920e-03, v5;
	v9 =	vmul.f32 $1.963495370e+00, v1;
	v7 =	vmul.f32 v7, v6;
	_ =	sdelay $0x1  }
0xfd: {  	v5 =	vmul.f32 v9, v9;
	v9 =	vmul.f32 v10, v8;
	v7 =	vadd.f32 $-5.000000000e-01, v7;
	_ =	sdelay $0x1  }
0xfe: {  	v10 =	vmul.f32 $2.480158760e-05, v5;
	v9 =	vadd.f32 $4.166666790e-02, v9;
	v6 =	vmul.f32 v7, v6  }
0xff: {  	s12 =	simm.s32 $0x40;
	vm0 =	vlt.f32 v4, $8.000000110e-01;
	v7 =	vmul.f32 $1.963495370e+00, v2  }
0x100: {  	v4 =	vld [tilespmem:s12+$0x7680];
	v10 =	vadd.f32 $-1.388888920e-03, v10;
	v9 =	vmul.f32 v9, v8;
	v11 =	vadd.f32 $1.000000000e+00, v6  }
0x101: {  	v6 =	vmul.f32 v7, v7  }
0x102: {  	v10 =	vmul.f32 v10, v5;
	v9 =	vadd.f32 $-5.000000000e-01, v9;
	v11 =	vmul.f32 v11, v11  }
0x103: {  	v7 =	vmul.f32 $2.480158760e-05, v6  }
0x104: {  	s13 =	simm.s32 $0x140;
	v10 =	vadd.f32 $4.166666790e-02, v10;
	v8 =	vmul.f32 v9, v8;
	v9 =	vnsel vm0, $0x0, v11  }
.LBB2_8:
0x105: {  	s14 =	sshra.s32 s13, $0x2;
	v11 =	vmul.f32 $1.963495370e+00, v4;
	[tilespmem:s11+$0xC580] =	vst v9;
	v9 =	vsel vm0, $0x3F800000, v0;
	v12 =	vmov v4;
	p0 =	sne.s32 s13, $0x9C00  }
.Ltmp3:
0x106: {  	s13 =	sadd.s32 $0x40, s13;
	v7 =	vadd.f32 $-1.388888920e-03, v7;
	v4 =	vld [tilespmem:s14+$0x7680];
	v10 =	vmul.f32 v10, v5;
	v8 =	vadd.f32 $1.000000000e+00, v8;
	[tilespmem:s11+$0x11480] =	vst v9;
	(pc) =	sbr.rel @p0 .LBB2_8-.Ltmp3, $4  }
0x107: {  	s11 =	smov.u32 s9;
	s9 =	smov.u32 s8;
	s8 =	smov.u32 s10;
	v11 =	vmul.f32 v11, v11  }
0x108: {  	s10 =	smov.u32 s12;
	s12 =	smov.u32 s14;
	v9 =	vmul.f32 v7, v6;
	v13 =	vadd.f32 $-5.000000000e-01, v10;
	v14 =	vmul.f32 v8, v8  }
0x109: {  	vm0 =	vlt.f32 v3, $8.000000110e-01;
	v3 =	vmovc v1;
	v1 =	vmovc v2;
	v2 =	vmov v12;
	v7 =	vmul.f32 $2.480158760e-05, v11  }
0x10a: {  	v10 =	vadd.f32 $4.166666790e-02, v9;
	v8 =	vmul.f32 v13, v5;
	v9 =	vnsel vm0, $0x0, v14;
	v5 =	vmovc v6;
	v6 =	vmovc v11  }
0x10b: {  	v11 =	vmul.f32 $1.963495370e+00, v4;
	_ =	sdelay $0x1  }
0x10c: {  	v11 =	vmul.f32 v11, v11;
	_ =	sdelay $0x1  }
0x10d: {  	v7 =	vadd.f32 $-1.388888920e-03, v7;
	v12 =	vmul.f32 $2.480158760e-05, v11;
	_ =	sdelay $0x1  }
0x10e: {  	v7 =	vmul.f32 v7, v6;
	v12 =	vadd.f32 $-1.388888920e-03, v12;
	_ =	sdelay $0x1  }
0x10f: {  	v10 =	vmul.f32 v10, v5;
	v7 =	vadd.f32 $4.166666790e-02, v7;
	v12 =	vmul.f32 v12, v11;
	_ =	sdelay $0x1  }
0x110: {  	v10 =	vadd.f32 $-5.000000000e-01, v10;
	v7 =	vmul.f32 v7, v6;
	v12 =	vadd.f32 $4.166666790e-02, v12  }
0x111: {  	v8 =	vadd.f32 $1.000000000e+00, v8  }
0x112: {  	v5 =	vmul.f32 v10, v5;
	v7 =	vadd.f32 $-5.000000000e-01, v7;
	v10 =	vmul.f32 v12, v11  }
0x113: {  	vm1 =	vlt.f32 v3, $8.000000110e-01;
	v8 =	vmul.f32 v8, v8  }
0x114: {  	v3 =	vadd.f32 $1.000000000e+00, v5;
	v5 =	vmul.f32 v7, v6;
	v6 =	vadd.f32 $-5.000000000e-01, v10  }
0x115: {  	[tilespmem:s11+$0xC580] =	vst v9;
	v8 =	vnsel vm1, $0x0, v8;
	v7 =	vsel vm0, $0x3F800000, v0  }
0x116: {  	v3 =	vmul.f32 v3, v3;
	[tilespmem:s11+$0x11480] =	vst v7;
	v5 =	vadd.f32 $1.000000000e+00, v5;
	v6 =	vmul.f32 v6, v11  }
0x117: {  	vm0 =	vlt.f32 v1, $8.000000110e-01;
	v7 =	vsel vm1, $0x3F800000, v0;
	[tilespmem:s9+$0xC580] =	vst v8  }
0x118: {  	v1 =	vnsel vm0, $0x0, v3;
	[tilespmem:s9+$0x11480] =	vst v7;
	v3 =	vmul.f32 v5, v5;
	v5 =	vadd.f32 $1.000000000e+00, v6  }
0x119: {  	[tilespmem:s8+$0xC580] =	vst v1;
	v1 =	vsel vm0, $0x3F800000, v0;
	vm0 =	vlt.f32 v2, $8.000000110e-01  }
0x11a: {  	[tilespmem:s8+$0x11480] =	vst v1;
	v1 =	vnsel vm0, $0x0, v3;
	v2 =	vmul.f32 v5, v5  }
0x11b: {  	[tilespmem:s10+$0xC580] =	vst v1;
	v1 =	vsel vm0, $0x3F800000, v0;
	vm0 =	vlt.f32 v4, $8.000000110e-01  }
0x11c: {  	[tilespmem:s10+$0x11480] =	vst v1;
	v1 =	vnsel vm0, $0x0, v2  }
0x11d: {  	[tilespmem:s12+$0xC580] =	vst v1;
	v1 =	vsel vm0, $0x3F800000, v0  }
0x11e: {  	s14 =	simm.s32 $0x0;
	[tilespmem:s12+$0x11480] =	vst v1  }
0x11f: {  	[hbm4b:s18+s14] =	stream.linear.scatter [tilespmem:s30], [sflag:$0x2], $0x2710, $0x38;
	[tilespmem:$0x13C00] =	vst v63  }
0x120: {  	_ = 	snop  }
0x121: {  	[hbm4b:s19+s14] =	stream.linear.scatter [tilespmem:s5], [sflag:$0x2], $0x2710, $0x38;
	[tilespmem:$0x13C00] =	vst v63  }
0x122: {  	_ = 	snop  }
0x123: {  	[hbm4b:s20+s14] =	stream.linear.scatter [tilespmem:s6], [sflag:$0x2], $0x2710, $0x38;
	[tilespmem:$0x13C00] =	vst v63  }
0x124: {  	_ =	swait.ge [sflag:s31], $0x2710  }
0x125: {  	[sflag:s31] =	ssyncset.done $0x0  }
0x126: {  	s11 =	simm.s32 $0x0;
	[sflag:s31] =	ssyncadd.s32 $0xFFFFD8F0  }
0x127: {  	v4 =	vld [tilespmem:s11+$0x4F00];
	_ =	sdelay $0x4  }
0x128: {  	s9 =	simm.s32 $0x10;
	v1 =	vmul.f32 $1.963495370e+00, v4  }
0x129: {  	v3 =	vld [tilespmem:s9+$0x4F00]  }
0x12a: {  	v6 =	vmul.f32 v1, v1;
	_ =	sdelay $0x1  }
0x12b: {  	v1 =	vmul.f32 $2.480158760e-05, v6;
	_ =	sdelay $0x1  }
0x12c: {  	s8 =	simm.s32 $0x20;
	v2 =	vmul.f32 $1.963495370e+00, v3;
	v5 =	vadd.f32 $-1.388888920e-03, v1  }
0x12d: {  	v1 =	vld [tilespmem:s8+$0x4F00]  }
0x12e: {  	v8 =	vmul.f32 v2, v2;
	v2 =	vmul.f32 v5, v6;
	_ =	sdelay $0x1  }
0x12f: {  	v5 =	vmul.f32 $2.480158760e-05, v8;
	v7 =	vadd.f32 $4.166666790e-02, v2  }
0x130: {  	s10 =	simm.s32 $0x30  }
0x131: {  	v2 =	vld [tilespmem:s10+$0x4F00];
	v10 =	vadd.f32 $-1.388888920e-03, v5;
	v9 =	vmul.f32 $1.963495370e+00, v1;
	v7 =	vmul.f32 v7, v6;
	_ =	sdelay $0x1  }
0x132: {  	v5 =	vmul.f32 v9, v9;
	v9 =	vmul.f32 v10, v8;
	v7 =	vadd.f32 $-5.000000000e-01, v7;
	_ =	sdelay $0x1  }
0x133: {  	v10 =	vmul.f32 $2.480158760e-05, v5;
	v9 =	vadd.f32 $4.166666790e-02, v9;
	v6 =	vmul.f32 v7, v6  }
0x134: {  	s12 =	simm.s32 $0x40;
	vm0 =	vlt.f32 v4, $8.000000110e-01;
	v7 =	vmul.f32 $1.963495370e+00, v2  }
0x135: {  	v4 =	vld [tilespmem:s12+$0x4F00];
	v10 =	vadd.f32 $-1.388888920e-03, v10;
	v9 =	vmul.f32 v9, v8;
	v11 =	vadd.f32 $1.000000000e+00, v6  }
0x136: {  	v6 =	vmul.f32 v7, v7  }
0x137: {  	v10 =	vmul.f32 v10, v5;
	v9 =	vadd.f32 $-5.000000000e-01, v9;
	v11 =	vmul.f32 v11, v11  }
0x138: {  	v7 =	vmul.f32 $2.480158760e-05, v6  }
0x139: {  	s13 =	simm.s32 $0x140;
	v10 =	vadd.f32 $4.166666790e-02, v10;
	v8 =	vmul.f32 v9, v8;
	v9 =	vnsel vm0, $0x0, v11  }
.LBB2_10:
0x13a: {  	s14 =	sshra.s32 s13, $0x2;
	v11 =	vmul.f32 $1.963495370e+00, v4;
	[tilespmem:s11+$0x9E00] =	vst v9;
	v9 =	vsel vm0, $0x3F800000, v0;
	v12 =	vmov v4;
	p0 =	sne.s32 s13, $0x9C00  }
.Ltmp4:
0x13b: {  	s13 =	sadd.s32 $0x40, s13;
	v7 =	vadd.f32 $-1.388888920e-03, v7;
	v4 =	vld [tilespmem:s14+$0x4F00];
	v10 =	vmul.f32 v10, v5;
	v8 =	vadd.f32 $1.000000000e+00, v8;
	[tilespmem:s11+$0xED00] =	vst v9;
	(pc) =	sbr.rel @p0 .LBB2_10-.Ltmp4, $4  }
0x13c: {  	s11 =	smov.u32 s9;
	s9 =	smov.u32 s8;
	s8 =	smov.u32 s10;
	v11 =	vmul.f32 v11, v11  }
0x13d: {  	s10 =	smov.u32 s12;
	s12 =	smov.u32 s14;
	v9 =	vmul.f32 v7, v6;
	v13 =	vadd.f32 $-5.000000000e-01, v10;
	v14 =	vmul.f32 v8, v8  }
0x13e: {  	vm0 =	vlt.f32 v3, $8.000000110e-01;
	v3 =	vmovc v1;
	v1 =	vmovc v2;
	v2 =	vmov v12;
	v7 =	vmul.f32 $2.480158760e-05, v11  }
0x13f: {  	v10 =	vadd.f32 $4.166666790e-02, v9;
	v8 =	vmul.f32 v13, v5;
	v9 =	vnsel vm0, $0x0, v14;
	v5 =	vmovc v6;
	v6 =	vmovc v11  }
0x140: {  	v11 =	vmul.f32 $1.963495370e+00, v4;
	_ =	sdelay $0x1  }
0x141: {  	v11 =	vmul.f32 v11, v11;
	_ =	sdelay $0x1  }
0x142: {  	v7 =	vadd.f32 $-1.388888920e-03, v7;
	v12 =	vmul.f32 $2.480158760e-05, v11;
	_ =	sdelay $0x1  }
0x143: {  	v7 =	vmul.f32 v7, v6;
	v12 =	vadd.f32 $-1.388888920e-03, v12;
	_ =	sdelay $0x1  }
0x144: {  	v10 =	vmul.f32 v10, v5;
	v7 =	vadd.f32 $4.166666790e-02, v7;
	v12 =	vmul.f32 v12, v11;
	_ =	sdelay $0x1  }
0x145: {  	v10 =	vadd.f32 $-5.000000000e-01, v10;
	v7 =	vmul.f32 v7, v6;
	v12 =	vadd.f32 $4.166666790e-02, v12;
	_ =	sdelay $0x1  }
0x146: {  	v57 =	vmul.f32 v10, v5;
	v7 =	vadd.f32 $-5.000000000e-01, v7;
	v58 =	vmul.f32 v12, v11  }
0x147: {  	vm1 =	vlt.f32 v3, $8.000000110e-01;
	v8 =	vadd.f32 $1.000000000e+00, v8  }
0x148: {  	v3 =	vadd.f32 $1.000000000e+00, v57;
	v59 =	vmul.f32 v7, v6;
	v60 =	vadd.f32 $-5.000000000e-01, v58  }
0x149: {  	v61 =	vsel vm0, $0x3F800000, v0;
	[tilespmem:s11+$0x9E00] =	vst v9;
	v62 =	vsel vm1, $0x3F800000, v0;
	v8 =	vmul.f32 v8, v8  }
0x14a: {  	[tilespmem:s11+$0xED00] =	vst v61;
	v3 =	vmul.f32 v3, v3;
	v5 =	vadd.f32 $1.000000000e+00, v59;
	v6 =	vmul.f32 v60, v11  }
0x14b: {  	vm13 =	vlt.f32 v1, $8.000000110e-01;
	[tilespmem:s9+$0xED00] =	vst v62;
	v8 =	vnsel vm1, $0x0, v8  }
0x14c: {  	[tilespmem:s9+$0x9E00] =	vst v8;
	v1 =	vnsel vm13, $0x0, v3;
	v3 =	vmul.f32 v5, v5;
	v63 =	vadd.f32 $1.000000000e+00, v6  }
0x14d: {  	vm14 =	vlt.f32 v2, $8.000000110e-01;
	[tilespmem:s8+$0x9E00] =	vst v1;
	v1 =	vsel vm13, $0x3F800000, v0  }
0x14e: {  	[tilespmem:s8+$0xED00] =	vst v1;
	v1 =	vnsel vm14, $0x0, v3;
	v2 =	vmul.f32 v63, v63  }
0x14f: {  	vm15 =	vlt.f32 v4, $8.000000110e-01;
	[tilespmem:s10+$0x9E00] =	vst v1;
	v1 =	vsel vm14, $0x3F800000, v0  }
0x150: {  	[tilespmem:s10+$0xED00] =	vst v1;
	v1 =	vnsel vm15, $0x0, v2  }
0x151: {  	[tilespmem:s12+$0x9E00] =	vst v1;
	v1 =	vsel vm15, $0x3F800000, v0  }
0x152: {  	[tilespmem:s12+$0xED00] =	vst v1  }
0x153: {  	[hbm4b:s21+s3] =	stream.linear.scatter [tilespmem:s28], [sflag:$0x2], $0x2710, $0x38;
	[tilespmem:$0x13C00] =	vst v63  }
0x154: {  	_ = 	snop  }
0x155: {  	[hbm4b:s22+s3] =	stream.linear.scatter [tilespmem:s2], [sflag:$0x2], $0x2710, $0x38;
	[tilespmem:$0x13C00] =	vst v63  }
0x156: {  	_ = 	snop  }
0x157: {  	[hbm4b:s23+s3] =	stream.linear.scatter [tilespmem:s0], [sflag:$0x2], $0x2710, $0x38;
	[tilespmem:$0x13C00] =	vst v63  }
0x158: {  	_ =	swait.ge [sflag:s4], $0x2710  }
0x159: {  	[sflag:s4] =	ssyncset.done $0x0  }
0x15a: {  	[sflag:s4] =	ssyncadd.s32 $0xFFFFD8F0  }
0x15b: {  	_ =	swait.ge [sflag:s4], $0x2710  }
0x15c: {  	[sflag:s4] =	ssyncset.done $0x0  }
0x15d: {  	[sflag:s4] =	ssyncadd.s32 $0xFFFFD8F0  }
0x15e: {  	_ =	swait.ge [sflag:s4], $0x2710  }
0x15f: {  	[sflag:s4] =	ssyncset.done $0x0  }
0x160: {  	[sflag:s4] =	ssyncadd.s32 $0xFFFFD8F0  }
0x161: {  	_ =	swait.ge [sflag:s4], $0x2710  }
0x162: {  	[sflag:s4] =	ssyncset.done $0x0  }
0x163: {  	s7 =	sadd.s32 $0x1, s7;
	[sflag:s4] =	ssyncadd.s32 $0xFFFFD8F0  }
0x164: {  	p0 =	sne.s32 s7, s24;
	_ =	swait.ge [sflag:s4], $0x2710  }
.Ltmp5:
0x165: {  	[sflag:s4] =	ssyncset.done $0x0;
	(pc) =	sbr.rel @p0 .LBB2_1-.Ltmp5, $4  }
0x166: {  	[sflag:s4] =	ssyncadd.s32 $0xFFFFD8F0  }
0x167: {  	_ =	swait.ge [sflag:s4], $0x2710  }
0x168: {  	[sflag:s4] =	ssyncset.done $0x0  }
0x169: {  	[sflag:s4] =	ssyncadd.s32 $0xFFFFD8F0  }
0x16a: {  	_ =	sfence.sel $0x180000  }
0x16b: {  	[bflag:$0x0] =	sbarrier.arrive $0xFFFF  }
0x16c: {  	_ =	strace $0x90000047  }
0x16d: {  	s0 =	stileid.u32;
	[bflag:$0x2] =	sbarrier.arrive $0xFFFF  }
0x16e: {  	p0 =	sne.s32 s0, $0x0;
	s0 =	rddreg [dreg:$0x5]  }
0x16f: {  	s0 =	sadd.s32 @!p0 $0x100000, s0  }
0x170: {  	[sflag:s0] =	ssyncadd.tile.s32 @!p0 $0x1;
	_ =	shalt  }
.Lfunc_end2:
_tile_overlayer_lowered:
.L_overlay_start_2:
0x171: {  	(tag) =	ssettag $0x2  }
0x172: {  	s0 =	rddreg [dreg:$0x0];
	s2 =	stileid.u32  }
0x173: {  	s1 =	rddreg [dreg:$0x1];
	p0 =	sne.s32 s2, $0x0  }
0x174: {  	s3 =	rddreg [dreg:$0x2];
	[bflag:$0x3] =	sbarrier.arrive $0xFFFF;
	s2 =	simm.s32 @!p0 $0x1C03  }
0x175: {  	[timem:s3], [sflag:s2] =	dma.local @!p0 [hbm:s0], s1  }
0x176: {  	s0 =	simm.s32 @!p0 $0x3  }
0x177: {  	_ =	swait.ge @!p0 [sflag:s0], s1  }
0x178: {  	s1 =	ssub.s32 @!p0 $0x0, s1;
	[sflag:s0] =	ssyncset.done @!p0 $0x0  }
0x179: {  	[sflag:s0] =	ssyncadd.s32 @!p0 s1  }
0x17a: {  	[bflag:$0x3] =	sbarrier.arrive $0xFFFF  }
0x17b: {  	_ =	shalt  }

// kernel: kernel.7.cloned.1.call-start
scs
__scs_entry_jumppad:
0x0: {  	(pc) =	sbr.rel $0x88, $3  }
0x1: {  	(tag) =	ssettag $0x0;
	lr =	simm.s32 $0x1  }
0x2: {  	[smem:$0x3F9E] =	sst lr;
	_ =	strace $0xD0000000  }
0x3: {  	_ = 	snop  }
0x4: {  	_ = 	snop  }
0x5: {  	_ = 	snop  }
0x6: {  	_ = 	snop  }
0x7: {  	_ = 	snop  }
__scs_overlays_trampoline_lowered:
0x8: {  	[smem:$0x3FAD] =	sst s0  }
0x9: {  	[smem:$0x3FAE] =	sst s1  }
0xa: {  	[smem:$0x3FAF] =	sst s2  }
0xb: {  	[smem:$0x3FB0] =	sst s3  }
0xc: {  	[smem:$0x3FB1] =	sst s4  }
0xd: {  	[smem:$0x3FB2] =	sst s5  }
0xe: {  	[smem:$0x3FB3] =	sst s6  }
0xf: {  	[smem:$0x3FB4] =	sst s7  }
0x10: {  	[smem:$0x3FB5] =	sst s8  }
0x11: {  	[smem:$0x3FB6] =	sst s9;
	s0 =	simm.s32 @!p0 $0x0  }
0x12: {  	s1 =	sld [smem:$0x3F9C];
	s0 =	simm.s32 @p0 $0x1  }
0x13: {  	[smem:$0x3FB7] =	sst s0;
	s0 =	simm.s32 @!p1 $0x0  }
0x14: {  	s2 =	sld [smem:$0x3F9B];
	s0 =	simm.s32 @p1 $0x1  }
0x15: {  	[smem:$0x3FB8] =	sst s0;
	s0 =	simm.s32 @!p2 $0x0  }
0x16: {  	s3 =	sld [smem:$0x3FDB];
	s0 =	simm.s32 @p2 $0x1  }
0x17: {  	s4 =	simm.s32 $0x1BF5;
	[smem:$0x3FBA] =	sst s0  }
0x18: {  	s0 =	sld [smem:$0x3F9D];
	_ =	swait.ge [sflag:s4], $0x0  }
0x19: {  	s7 =	sld [smem:$0x3F9E]  }
0x1a: {  	s8 =	sadd.s32 $0xFFFFE003, lr  }
0x1b: {  	s9 =	sadd.s32 $0xFFFFFEF7, lr;
	s5 =	simm.s32 $0xFFFFFFFF;
	p2 =	slt.u32 s8, $0xFFFFF086  }
0x1c: {  	p1 =	slt.u32 s9, $0xF7A;
	s5 =	simm.s32 @!p2 $0x0  }
0x1d: {  	s5 =	simm.s32 @p1 $0x1;
	p0 =	seq.s32 s7, s2  }
0x1e: {  	s7 =	smul.u32 @!p0 $0xF7A, s2;
	p2 =	seq.s32 @!p0 s5, $0x0  }
0x1f: {  	s9 =	smul.u32 $0xF7A, s1;
	s8 =	simm.s32 @!p0 $0x1BF5;
	p2 =	por !p2, p0  }
0x20: {  	[sflag:s8] =	ssyncset.s32 @!p0 $0xFFFFF086;
	s6 =	sadd.s32 @!p0 s3, s7;
	s7 =	simm.s32 @!p0 $0x108  }
0x21: {  	s3 =	sadd.s32 s3, s9;
	s6 =	sadd.s32 @!p0 $0x88, s6;
	s7 =	simm.s32 @p2 $0x1082  }
0x22: {  	[simem:s7], [sflag:s8] =	dma.local @!p0 [hbm:s6], $0xF7A  }
0x23: {  	s9 =	sor.u32 $0xD0000000, s2;
	s6 =	simm.s32 $0x108;
	_ =	swait.ge @!p0 [sflag:s8], $0x0  }
0x24: {  	s3 =	sadd.s32 $0x88, s3;
	s6 =	simm.s32 @!p1 $0x1082;
	[sflag:s4] =	ssyncset.s32 $0xFFFFF086  }
0x25: {  	[simem:s6], [sflag:s4] =	dma.local [hbm:s3], $0xF7A  }
0x26: {  	[smem:$0x3F9E] =	sst s1;
	(tag) =	ssettag s2;
	_ =	strace s9  }
0x27: {  	s1 =	sld [smem:$0x3FAE]  }
0x28: {  	s2 =	sld [smem:$0x3FAF]  }
0x29: {  	s4 =	sld [smem:$0x3FB1]  }
0x2a: {  	p0 =	seq.s32 s5, $0x0;
	s5 =	sld [smem:$0x3FB2]  }
0x2b: {  	s6 =	sld [smem:$0x3FB3]  }
0x2c: {  	s7 =	sld [smem:$0x3FB4]  }
0x2d: {  	s3 =	simm.s32 $0x108;
	s8 =	sld [smem:$0x3FB5]  }
0x2e: {  	s3 =	simm.s32 @!p0 $0x1082;
	s9 =	sld [smem:$0x3FB6]  }
0x2f: {  	lr =	sadd.s32 s0, s3;
	s0 =	sld [smem:$0x3FAD]  }
0x30: {  	s3 =	sld [smem:$0x3FB0]  }
0x31: {  	[smem:$0x3FB9] =	sst s10  }
0x32: {  	s10 =	sld [smem:$0x3FB7];
	_ =	sdelay $0x3  }
0x33: {  	p0 =	seq.s32 s10, $0x1;
	s10 =	sld [smem:$0x3FB9];
	_ =	sdelay $0x3  }
0x34: {  	[smem:$0x3FB9] =	sst s10  }
0x35: {  	s10 =	sld [smem:$0x3FB8];
	_ =	sdelay $0x3  }
0x36: {  	p1 =	seq.s32 s10, $0x1;
	s10 =	sld [smem:$0x3FB9];
	_ =	sdelay $0x3  }
0x37: {  	[smem:$0x3FB9] =	sst s10  }
0x38: {  	s10 =	sld [smem:$0x3FBA]  }
0x39: {  	_ = 	snop;
	(pc) =	sbr.ind lr, $3  }
0x3a: {  	_ = 	snop  }
0x3b: {  	_ = 	snop  }
0x3c: {  	p2 =	seq.s32 s10, $0x1;
	s10 =	sld [smem:$0x3FB9]  }
0x3d: {  	_ =	shalt  }
0x3e: {  	_ =	shalt  }
0x3f: {  	_ =	shalt  }
0x40: {  	_ =	shalt  }
0x41: {  	_ =	shalt  }
0x42: {  	_ =	shalt  }
0x43: {  	_ =	shalt  }
0x44: {  	_ =	shalt  }
0x45: {  	_ =	shalt  }
0x46: {  	_ =	shalt  }
0x47: {  	_ =	shalt  }
0x48: {  	_ =	shalt  }
0x49: {  	_ =	shalt  }
0x4a: {  	_ =	shalt  }
0x4b: {  	_ =	shalt  }
0x4c: {  	_ =	shalt  }
0x4d: {  	_ =	shalt  }
0x4e: {  	_ =	shalt  }
0x4f: {  	_ =	shalt  }
0x50: {  	_ =	shalt  }
0x51: {  	_ =	shalt  }
0x52: {  	_ =	shalt  }
0x53: {  	_ =	shalt  }
0x54: {  	_ =	shalt  }
0x55: {  	_ =	shalt  }
0x56: {  	_ =	shalt  }
0x57: {  	_ =	shalt  }
0x58: {  	_ =	shalt  }
0x59: {  	_ =	shalt  }
0x5a: {  	_ =	shalt  }
0x5b: {  	_ =	shalt  }
0x5c: {  	_ =	shalt  }
0x5d: {  	_ =	shalt  }
0x5e: {  	_ =	shalt  }
0x5f: {  	_ =	shalt  }
0x60: {  	_ =	shalt  }
0x61: {  	_ =	shalt  }
0x62: {  	_ =	shalt  }
0x63: {  	_ =	shalt  }
0x64: {  	_ =	shalt  }
0x65: {  	_ =	shalt  }
0x66: {  	_ =	shalt  }
0x67: {  	_ =	shalt  }
0x68: {  	_ =	shalt  }
0x69: {  	_ =	shalt  }
0x6a: {  	_ =	shalt  }
0x6b: {  	_ =	shalt  }
0x6c: {  	_ =	shalt  }
0x6d: {  	_ =	shalt  }
0x6e: {  	_ =	shalt  }
0x6f: {  	_ =	shalt  }
0x70: {  	_ =	shalt  }
0x71: {  	_ =	shalt  }
0x72: {  	_ =	shalt  }
0x73: {  	_ =	shalt  }
0x74: {  	_ =	shalt  }
0x75: {  	_ =	shalt  }
0x76: {  	_ =	shalt  }
0x77: {  	_ =	shalt  }
0x78: {  	_ =	shalt  }
0x79: {  	_ =	shalt  }
0x7a: {  	_ =	shalt  }
0x7b: {  	_ =	shalt  }
0x7c: {  	_ =	shalt  }
0x7d: {  	_ =	shalt  }
0x7e: {  	_ =	shalt  }
0x7f: {  	_ =	shalt  }
0x80: {  	_ =	shalt  }
0x81: {  	_ =	shalt  }
0x82: {  	_ =	shalt  }
0x83: {  	_ =	shalt  }
0x84: {  	_ =	shalt  }
0x85: {  	_ =	shalt  }
0x86: {  	_ =	shalt  }
0x87: {  	_ =	shalt  }
.Lfunc_end0:
.L_simem_size_0:
called_computation.1_lowered:
.L_overlay_start_0:
0x88: {  	s2 =	sld [smem:$0x3FD9]  }
0x89: {  	s3 =	sld [smem:$0x3FFE];
	_ =	sdelay $0x1  }
0x8a: {  	s1 =	srdreg.scid  }
0x8b: {  	s0 =	sand.u32 $0x1, s1  }
0x8c: {  	s14 =	sshll.u32 s0, $0xA;
	s2 =	sadd.s32 s3, s2  }
0x8d: {  	s2 =	sadd.s32 s2, s14  }
0x8e: {  	[smem:$0x3FC5] =	sst s2  }
0x8f: {  	_ = 	snop  }
0x90: {  	s2 =	sld [smem:$0x3FD0];
	_ =	sdelay $0x2  }
0x91: {  	s4 =	simm.s32 $0xA;
	s5 =	simm.s32 $0x10;
	s15 =	sld [smem:$0x3FC7]  }
0x92: {  	[smem:s5], [sflag:s4] =	dma.local [hbm:s2], $0x1  }
0x93: {  	_ =	swait.eq [sflag:s4], $0x1  }
0x94: {  	[sflag:s4] =	ssyncset.done $0x0  }
0x95: {  	[sflag:s4] =	ssyncadd.s32 $0xFFFFFFFF  }
0x96: {  	s16 =	sld [smem:$0x10];
	(tm) =	ssettm $0x1  }
0x97: {  	s17 =	sld [smem:$0x3FFB];
	_ =	sdelay $0x3  }
0x98: {  	_ =	strace s17  }
0x99: {  	s4 =	sld [smem:$0x3FFC];
	_ =	sdelay $0x3  }
0x9a: {  	_ =	strace s4  }
0x9b: {  	s4 =	sld [smem:$0x3FFD];
	_ =	sdelay $0x3  }
0x9c: {  	_ =	strace s4  }
0x9d: {  	_ =	strace $0x8FFFFFFF  }
0x9e: {  	s18 =	sld [smem:$0x3FDB];
	_ =	sdelay $0x1  }
0x9f: {  	s19 =	simm.s32 $_scs_section_size  }
0xa0: {  	s6 =	simm.s32 $_size__tile_overlayer_lowered;
	s7 =	simm.s32 $_tile_overlayer_lowered  }
0xa1: {  	s22 =	simm.s32 $0x1BFF;
	s21 =	sshll.u32 s7, $0x1;
	s4 =	sadd.s32 s19, s18  }
0xa2: {  	s8 =	simm.s32 $0x0;
	s20 =	sshll.u32 s6, $0x1;
	s6 =	sadd.s32 s21, s4  }
0xa3: {  	[timem:s8], [sflag:s22] =	dma.local [hbm:s6], s20  }
0xa4: {  	_ =	swait.ge [sflag:s22], s20  }
0xa5: {  	s5 =	ssub.s32 $0x0, s20;
	[sflag:s22] =	ssyncset.done $0x0  }
0xa6: {  	[sflag:s22] =	ssyncadd.s32 s5;
	_ =	sdelay $0x1  }
0xa7: {  	s23 =	simm.s32 $0x1B8B  }
0xa8: {  	_ =	swait.ge [sflag:s23], $0x1  }
0xa9: {  	[sflag:s23] =	ssyncset.done $0x0  }
0xaa: {  	s25 =	simm.s32 $0x1B8E;
	s24 =	sld [smem:$0x3FFE];
	[sflag:s23] =	ssyncadd.s32 $0xFFFFFFFF  }
0xab: {  	s26 =	simm.s32 $execute0_lowered;
	[smem:$0x3FD2] =	sst s25  }
0xac: {  	s6 =	sshll.u32 s26, $0x1;
	_ =	strace $0x80000049;
	[dreg:$0x1] =	wrdreg $0xFFFFFFFF  }
0xad: {  	s28 =	simm.s32 $_size_execute0_lowered;
	s4 =	sadd.s32 s4, s6;
	[dreg:$0x0] =	wrdreg $0x0  }
0xae: {  	s6 =	sshll.u32 s28, $0x1;
	[dreg:$0x2] =	wrdreg s4  }
0xaf: {  	[dreg:$0x3] =	wrdreg s6  }
0xb0: {  	[dreg:$0x4] =	wrdreg $0xC0  }
0xb1: {  	_ =	task [dreg:s8], $0x5FFFF  }
0xb2: {  	[dreg:$0x1] =	wrdreg $0xFFFFFFFF  }
0xb3: {  	[dreg:$0x0] =	wrdreg $0x60  }
0xb4: {  	[dreg:$0x2] =	wrdreg s24  }
0xb5: {  	[dreg:$0x3] =	wrdreg s16  }
0xb6: {  	[dreg:$0x4] =	wrdreg s15  }
0xb7: {  	[dreg:$0x5] =	wrdreg $0x9  }
0xb8: {  	_ =	task.clear_ibuf [dreg:s8], $0x6FFFF;
	_ =	strace $0x90000049  }
0xb9: {  	s29 =	simm.s32 $0x9;
	_ =	strace $0x8000004B  }
0xba: {  	_ =	swait.ge [sflag:s29], $0x1  }
0xbb: {  	[sflag:s29] =	ssyncadd.s32 $0xFFFFFFFF  }
0xbc: {  	_ =	strace $0x9000004B  }
0xbd: {  	_ =	sfence  }
0xbe: {  	s30 =	sld [smem:$0x0];
	_ =	sdelay $0x2  }
0xbf: {  	s31 =	sshll.u32 s1, $0xD;
	s1 =	sshrl.u32 s1, $0x2  }
0xc0: {  	s3 =	sand.u32 $0x4000, s31;
	s1 =	sadd.s32 s1, s30  }
0xc1: {  	s0 =	sor.u32 s3, s0;
	s1 =	sshll.u32 s1, $0x11  }
0xc2: {  	s0 =	sor.u32 s1, s0  }
0xc3: {  	s0 =	sadd.s32 $0x8F2B, s0  }
0xc4: {  	[sflag:s0] =	ssyncadd.remote.s32 $0x1  }
0xc5: {  	_ =	sfence.sel $0xFFFF  }
0xc6: {  	[dreg:$0x0] =	wrdreg $0xFFFFFFFF;
	(pc) =	sbr.abs _section_cstart, $3  }
0xc7: {  	[dreg:$0x1] =	wrdreg $0xFFFFFFFF  }
0xc8: {  	_ =	task.clear_ibuf [dreg:s8], $0x2FFFF;
	_ =	strace $0x9FFFFFFF  }
0xc9: {  	(tm) =	ssettm $0x7FFFFFFF  }
tec
execute0_lowered:
.L_overlay_start_1:
0x0: {  	(tag) =	ssettag $0x1  }
0x1: {  	s0 =	rddreg [dreg:$0x0]  }
0x2: {  	s3 =	rddreg [dreg:$0x1];
	s1 =	srdreg.scid  }
0x3: {  	s2 =	stileid.u32;
	s6 =	rddreg [dreg:$0x2]  }
0x4: {  	s22 =	simm.s32 $0x2710;
	p0 =	por $0x0, $0x0;
	s31 =	simm.s32 $0x2780  }
0x5: {  	s1 =	sand.u32 $0x1, s1;
	s4 =	sshll.u32 s2, $0x1;
	s2 =	simm.s32 $0x0  }
0x6: {  	s5 =	sadd.s32 $0x32400, s0;
	s8 =	sadd.s32 $0x1B9000, s0;
	s9 =	sadd.s32 $0x1E9E00, s0  }
0x7: {  	s4 =	sor.u32 s1, s4;
	[smem:$0x7FF] =	sst s2;
	s1 =	ssub.s32 $0x2, s1  }
0x8: {  	s7 =	smul.u32 $0xC350, s4;
	_ =	strace $0x8000004A;
	s12 =	sshrl.u32 s1, $0x1  }
0x9: {  	s4 =	sadd.s32 $0xF5A00, s0;
	s0 =	sadd.s32 $0x21AC00, s0;
	s1 =	ssub.s32 s1, s12  }
0xa: {  	s12 =	simm.s32 $0x9E00;
	s7 =	sshrl.u32 s7, $0x3;
	s21 =	smax.u32 s1, $0x1  }
0xb: {  	s10 =	sadd.s32 s6, s7;
	s11 =	sadd.s32 $0x4E2, s7;
	s16 =	sadd.s32 s8, s7  }
0xc: {  	s17 =	sadd.s32 s9, s7;
	s18 =	sadd.s32 s0, s7;
	s13 =	sadd.s32 $0x9C4, s7  }
0xd: {  	s20 =	sadd.s32 $0xEA6, s7;
	s7 =	sadd.s32 $0x1388, s7;
	[dreg:$0x4] =	wrdreg s10  }
0xe: {  	p1 =	sne.s32 s21, $0x1;
	s1 =	sadd.s32 $0xFFFFFFFF, s21;
	[dreg:$0x6] =	wrdreg s16  }
0xf: {  	s21 =	simm.s32 $0x11480;
	s15 =	sadd.s32 s6, s11;
	[dreg:$0x7] =	wrdreg s17  }
0x10: {  	[dreg:$0x8] =	wrdreg s18;
	s19 =	sadd.s32 s6, s13;
	s28 =	sadd.s32 s8, s11  }
0x11: {  	s29 =	sadd.s32 s9, s11;
	s30 =	sadd.s32 s0, s11;
	s26 =	sadd.s32 s6, s20  }
0x12: {  	s23 =	sadd.s32 s8, s13;
	s24 =	sadd.s32 s9, s13;
	s25 =	sadd.s32 s0, s13  }
0x13: {  	s18 =	sadd.s32 s6, s7;
	s14 =	sadd.s32 s8, s20;
	s16 =	sadd.s32 s0, s20  }
.Ltmp0:
0x14: {  	s10 =	sadd.s32 s8, s7;
	s8 =	sadd.s32 s9, s7;
	(pc) =	sbr.rel @!p1 .LBB2_3-.Ltmp0, $4  }
0x15: {  	s7 =	sadd.s32 s0, s7;
	s6 =	simm.s32 $0x3;
	s13 =	simm.s32 $0x4F00  }
0x16: {  	s11 =	simm.s32 $0xED00;
	s17 =	simm.s32 $0x1;
	[dreg:$0x5] =	wrdreg s15  }
0x17: {  	[dreg:$0x9] =	wrdreg s19;
	s15 =	sadd.s32 s9, s20;
	s19 =	simm.s32 $0x7680  }
0x18: {  	s20 =	simm.s32 $0xC580;
	s9 =	simm.s32 $0x2;
	s0 =	rddreg [dreg:$0x4]  }
0x19: {  	[tilespmem:s2], [sflag:$0x3] =	stream.linear.gather [hbm4b:s0+s2], $0x2710, $0x38;
	[tilespmem:$0x13C00] =	vst v63  }
0x1a: {  	_ =	swait.ge [sflag:s6], $0x2710  }
0x1b: {  	[sflag:s6] =	ssyncset.done $0x0  }
0x1c: {  	[sflag:s6] =	ssyncadd.s32 $0xFFFFD8F0  }
0x1d: {  	[tilespmem:s13], [sflag:$0x1] =	stream.indirect.gather [hbm4b:s4+s22], $0x1, s2, s22, $0xb8;
	[tilespmem:$0x13C00] =	vst v63  }
0x1e: {  	_ = 	snop  }
0x1f: {  	[tilespmem:s12], [sflag:$0x1] =	stream.indirect.gather [hbm4b:s5+s22], $0x1, s2, s22, $0xb8;
	[tilespmem:$0x13C00] =	vst v63  }
0x20: {  	_ = 	snop  }
0x21: {  	[tilespmem:s11], [sflag:$0x1] =	stream.indirect.gather [hbm4b:s3+s22], $0x1, s2, s22, $0xb8;
	[tilespmem:$0x13C00] =	vst v63  }
0x22: {  	s0 =	rddreg [dreg:$0x5]  }
0x23: {  	[tilespmem:s31], [sflag:$0x3] =	stream.linear.gather [hbm4b:s0+s2], $0x2710, $0x38;
	[tilespmem:$0x13C00] =	vst v63  }
0x24: {  	_ =	swait.ge [sflag:s6], $0x2710  }
0x25: {  	[sflag:s6] =	ssyncset.done $0x0  }
0x26: {  	[sflag:s6] =	ssyncadd.s32 $0xFFFFD8F0  }
0x27: {  	[tilespmem:s19], [sflag:$0x1] =	stream.indirect.gather [hbm4b:s4+s22], $0x1, s31, s22, $0xb8;
	[tilespmem:$0x13C00] =	vst v63  }
0x28: {  	_ = 	snop  }
0x29: {  	[tilespmem:s20], [sflag:$0x1] =	stream.indirect.gather [hbm4b:s5+s22], $0x1, s31, s22, $0xb8;
	[tilespmem:$0x13C00] =	vst v63  }
0x2a: {  	_ = 	snop  }
0x2b: {  	[tilespmem:s21], [sflag:$0x1] =	stream.indirect.gather [hbm4b:s3+s22], $0x1, s31, s22, $0xb8;
	[tilespmem:$0x13C00] =	vst v63  }
0x2c: {  	_ =	swait.ge [sflag:s17], $0x2710  }
0x2d: {  	[sflag:s17] =	ssyncset.done $0x0  }
0x2e: {  	[sflag:s17] =	ssyncadd.s32 $0xFFFFD8F0  }
0x2f: {  	_ =	swait.ge [sflag:s17], $0x2710  }
0x30: {  	[sflag:s17] =	ssyncset.done $0x0  }
0x31: {  	[sflag:s17] =	ssyncadd.s32 $0xFFFFD8F0  }
0x32: {  	_ =	swait.ge [sflag:s17], $0x2710  }
0x33: {  	[dreg:$0xa] =	wrdreg s1;
	[sflag:s17] =	ssyncset.done $0x0  }
0x34: {  	s0 =	rddreg [dreg:$0x6];
	[sflag:s17] =	ssyncadd.s32 $0xFFFFD8F0  }
0x35: {  	[hbm4b:s0+s2] =	stream.linear.scatter [tilespmem:s13], [sflag:$0x2], $0x2710, $0x38;
	[tilespmem:$0x13C00] =	vst v63  }
0x36: {  	s1 =	rddreg [dreg:$0x7]  }
0x37: {  	[hbm4b:s1+s2] =	stream.linear.scatter [tilespmem:s12], [sflag:$0x2], $0x2710, $0x38;
	[tilespmem:$0x13C00] =	vst v63  }
0x38: {  	s0 =	rddreg [dreg:$0x8]  }
0x39: {  	[hbm4b:s0+s2] =	stream.linear.scatter [tilespmem:s11], [sflag:$0x2], $0x2710, $0x38;
	[tilespmem:$0x13C00] =	vst v63  }
0x3a: {  	_ =	swait.ge [sflag:s9], $0x2710  }
0x3b: {  	[sflag:s9] =	ssyncset.done $0x0  }
0x3c: {  	[sflag:s9] =	ssyncadd.s32 $0xFFFFD8F0  }
0x3d: {  	_ =	swait.ge [sflag:s9], $0x2710  }
0x3e: {  	[sflag:s9] =	ssyncset.done $0x0  }
0x3f: {  	[sflag:s9] =	ssyncadd.s32 $0xFFFFD8F0  }
0x40: {  	_ =	swait.ge [sflag:s9], $0x2710  }
0x41: {  	[sflag:s9] =	ssyncset.done $0x0  }
0x42: {  	s1 =	rddreg [dreg:$0x9];
	[sflag:s9] =	ssyncadd.s32 $0xFFFFD8F0  }
0x43: {  	[tilespmem:s2], [sflag:$0x3] =	stream.linear.gather [hbm4b:s1+s2], $0x2710, $0x38;
	[tilespmem:$0x13C00] =	vst v63  }
0x44: {  	_ =	swait.ge [sflag:s6], $0x2710  }
0x45: {  	[sflag:s6] =	ssyncset.done $0x0  }
0x46: {  	[sflag:s6] =	ssyncadd.s32 $0xFFFFD8F0  }
0x47: {  	[tilespmem:s13], [sflag:$0x1] =	stream.indirect.gather [hbm4b:s4+s22], $0x1, s2, s22, $0xb8;
	[tilespmem:$0x13C00] =	vst v63  }
0x48: {  	_ = 	snop  }
0x49: {  	[tilespmem:s12], [sflag:$0x1] =	stream.indirect.gather [hbm4b:s5+s22], $0x1, s2, s22, $0xb8;
	[tilespmem:$0x13C00] =	vst v63  }
0x4a: {  	_ = 	snop  }
0x4b: {  	[tilespmem:s11], [sflag:$0x1] =	stream.indirect.gather [hbm4b:s3+s22], $0x1, s2, s22, $0xb8;
	[tilespmem:$0x13C00] =	vst v63  }
0x4c: {  	_ =	swait.ge [sflag:s17], $0x2710  }
0x4d: {  	[sflag:s17] =	ssyncset.done $0x0  }
0x4e: {  	[sflag:s17] =	ssyncadd.s32 $0xFFFFD8F0  }
0x4f: {  	_ =	swait.ge [sflag:s17], $0x2710  }
0x50: {  	[sflag:s17] =	ssyncset.done $0x0  }
0x51: {  	[sflag:s17] =	ssyncadd.s32 $0xFFFFD8F0  }
0x52: {  	_ =	swait.ge [sflag:s17], $0x2710  }
0x53: {  	[sflag:s17] =	ssyncset.done $0x0  }
0x54: {  	[sflag:s17] =	ssyncadd.s32 $0xFFFFD8F0  }
0x55: {  	[hbm4b:s28+s2] =	stream.linear.scatter [tilespmem:s19], [sflag:$0x2], $0x2710, $0x38;
	[tilespmem:$0x13C00] =	vst v63  }
0x56: {  	_ = 	snop  }
0x57: {  	[hbm4b:s29+s2] =	stream.linear.scatter [tilespmem:s20], [sflag:$0x2], $0x2710, $0x38;
	[tilespmem:$0x13C00] =	vst v63  }
0x58: {  	_ = 	snop  }
0x59: {  	[hbm4b:s30+s2] =	stream.linear.scatter [tilespmem:s21], [sflag:$0x2], $0x2710, $0x38;
	[tilespmem:$0x13C00] =	vst v63  }
0x5a: {  	_ =	swait.ge [sflag:s9], $0x2710  }
0x5b: {  	[sflag:s9] =	ssyncset.done $0x0  }
0x5c: {  	[sflag:s9] =	ssyncadd.s32 $0xFFFFD8F0  }
0x5d: {  	_ =	swait.ge [sflag:s9], $0x2710  }
0x5e: {  	[sflag:s9] =	ssyncset.done $0x0  }
0x5f: {  	[sflag:s9] =	ssyncadd.s32 $0xFFFFD8F0  }
0x60: {  	_ =	swait.ge [sflag:s9], $0x2710  }
0x61: {  	[sflag:s9] =	ssyncset.done $0x0  }
0x62: {  	[sflag:s9] =	ssyncadd.s32 $0xFFFFD8F0  }
0x63: {  	[tilespmem:s31], [sflag:$0x3] =	stream.linear.gather [hbm4b:s26+s2], $0x2710, $0x38;
	[tilespmem:$0x13C00] =	vst v63  }
0x64: {  	_ =	swait.ge [sflag:s6], $0x2710  }
0x65: {  	[sflag:s6] =	ssyncset.done $0x0  }
0x66: {  	[sflag:s6] =	ssyncadd.s32 $0xFFFFD8F0  }
0x67: {  	[tilespmem:s19], [sflag:$0x1] =	stream.indirect.gather [hbm4b:s4+s22], $0x1, s31, s22, $0xb8;
	[tilespmem:$0x13C00] =	vst v63  }
0x68: {  	_ = 	snop  }
0x69: {  	[tilespmem:s20], [sflag:$0x1] =	stream.indirect.gather [hbm4b:s5+s22], $0x1, s31, s22, $0xb8;
	[tilespmem:$0x13C00] =	vst v63  }
0x6a: {  	_ = 	snop  }
0x6b: {  	[tilespmem:s21], [sflag:$0x1] =	stream.indirect.gather [hbm4b:s3+s22], $0x1, s31, s22, $0xb8;
	[tilespmem:$0x13C00] =	vst v63  }
0x6c: {  	_ =	swait.ge [sflag:s17], $0x2710  }
0x6d: {  	[sflag:s17] =	ssyncset.done $0x0  }
0x6e: {  	[sflag:s17] =	ssyncadd.s32 $0xFFFFD8F0  }
0x6f: {  	_ =	swait.ge [sflag:s17], $0x2710  }
0x70: {  	[sflag:s17] =	ssyncset.done $0x0  }
0x71: {  	[sflag:s17] =	ssyncadd.s32 $0xFFFFD8F0  }
0x72: {  	_ =	swait.ge [sflag:s17], $0x2710  }
0x73: {  	[sflag:s17] =	ssyncset.done $0x0  }
0x74: {  	[sflag:s17] =	ssyncadd.s32 $0xFFFFD8F0  }
0x75: {  	[hbm4b:s23+s2] =	stream.linear.scatter [tilespmem:s13], [sflag:$0x2], $0x2710, $0x38;
	[tilespmem:$0x13C00] =	vst v63  }
0x76: {  	_ = 	snop  }
0x77: {  	[hbm4b:s24+s2] =	stream.linear.scatter [tilespmem:s12], [sflag:$0x2], $0x2710, $0x38;
	[tilespmem:$0x13C00] =	vst v63  }
0x78: {  	_ = 	snop  }
0x79: {  	[hbm4b:s25+s2] =	stream.linear.scatter [tilespmem:s11], [sflag:$0x2], $0x2710, $0x38;
	[tilespmem:$0x13C00] =	vst v63  }
0x7a: {  	_ =	swait.ge [sflag:s9], $0x2710  }
0x7b: {  	[sflag:s9] =	ssyncset.done $0x0  }
0x7c: {  	[sflag:s9] =	ssyncadd.s32 $0xFFFFD8F0  }
0x7d: {  	_ =	swait.ge [sflag:s9], $0x2710  }
0x7e: {  	[sflag:s9] =	ssyncset.done $0x0  }
0x7f: {  	[sflag:s9] =	ssyncadd.s32 $0xFFFFD8F0  }
0x80: {  	_ =	swait.ge [sflag:s9], $0x2710  }
0x81: {  	[sflag:s9] =	ssyncset.done $0x0  }
0x82: {  	[sflag:s9] =	ssyncadd.s32 $0xFFFFD8F0  }
0x83: {  	[tilespmem:s2], [sflag:$0x3] =	stream.linear.gather [hbm4b:s18+s2], $0x2710, $0x38;
	[tilespmem:$0x13C00] =	vst v63  }
0x84: {  	_ =	swait.ge [sflag:s6], $0x2710  }
0x85: {  	[sflag:s6] =	ssyncset.done $0x0  }
0x86: {  	[sflag:s6] =	ssyncadd.s32 $0xFFFFD8F0  }
0x87: {  	[tilespmem:s13], [sflag:$0x1] =	stream.indirect.gather [hbm4b:s4+s22], $0x1, s2, s22, $0xb8;
	[tilespmem:$0x13C00] =	vst v63  }
0x88: {  	_ = 	snop  }
0x89: {  	[tilespmem:s12], [sflag:$0x1] =	stream.indirect.gather [hbm4b:s5+s22], $0x1, s2, s22, $0xb8;
	[tilespmem:$0x13C00] =	vst v63  }
0x8a: {  	_ = 	snop  }
0x8b: {  	[tilespmem:s11], [sflag:$0x1] =	stream.indirect.gather [hbm4b:s3+s22], $0x1, s2, s22, $0xb8;
	[tilespmem:$0x13C00] =	vst v63  }
0x8c: {  	_ =	swait.ge [sflag:s17], $0x2710  }
0x8d: {  	[sflag:s17] =	ssyncset.done $0x0  }
0x8e: {  	[sflag:s17] =	ssyncadd.s32 $0xFFFFD8F0  }
0x8f: {  	_ =	swait.ge [sflag:s17], $0x2710  }
0x90: {  	[sflag:s17] =	ssyncset.done $0x0  }
0x91: {  	[sflag:s17] =	ssyncadd.s32 $0xFFFFD8F0  }
0x92: {  	_ =	swait.ge [sflag:s17], $0x2710  }
0x93: {  	[sflag:s17] =	ssyncset.done $0x0  }
0x94: {  	[sflag:s17] =	ssyncadd.s32 $0xFFFFD8F0  }
0x95: {  	[hbm4b:s14+s2] =	stream.linear.scatter [tilespmem:s19], [sflag:$0x2], $0x2710, $0x38;
	[tilespmem:$0x13C00] =	vst v63  }
0x96: {  	_ = 	snop  }
0x97: {  	[hbm4b:s15+s2] =	stream.linear.scatter [tilespmem:s20], [sflag:$0x2], $0x2710, $0x38;
	[tilespmem:$0x13C00] =	vst v63  }
0x98: {  	_ = 	snop  }
0x99: {  	[hbm4b:s16+s2] =	stream.linear.scatter [tilespmem:s21], [sflag:$0x2], $0x2710, $0x38;
	[tilespmem:$0x13C00] =	vst v63  }
0x9a: {  	_ =	swait.ge [sflag:s17], $0x2710  }
0x9b: {  	[sflag:s17] =	ssyncset.done $0x0  }
0x9c: {  	[sflag:s17] =	ssyncadd.s32 $0xFFFFD8F0  }
0x9d: {  	_ =	swait.ge [sflag:s17], $0x2710  }
0x9e: {  	[sflag:s17] =	ssyncset.done $0x0  }
0x9f: {  	[sflag:s17] =	ssyncadd.s32 $0xFFFFD8F0  }
0xa0: {  	_ =	swait.ge [sflag:s17], $0x2710  }
0xa1: {  	[sflag:s17] =	ssyncset.done $0x0  }
0xa2: {  	[sflag:s17] =	ssyncadd.s32 $0xFFFFD8F0  }
0xa3: {  	[hbm4b:s10+s2] =	stream.linear.scatter [tilespmem:s13], [sflag:$0x3], $0x2710, $0x38;
	[tilespmem:$0x13C00] =	vst v63  }
0xa4: {  	_ =	swait.ge [sflag:s6], $0x2710  }
0xa5: {  	[sflag:s6] =	ssyncset.done $0x0  }
0xa6: {  	[sflag:s6] =	ssyncadd.s32 $0xFFFFD8F0  }
0xa7: {  	[hbm4b:s8+s2] =	stream.linear.scatter [tilespmem:s12], [sflag:$0x3], $0x2710, $0x38;
	[tilespmem:$0x13C00] =	vst v63  }
0xa8: {  	_ =	swait.ge [sflag:s6], $0x2710  }
0xa9: {  	[sflag:s6] =	ssyncset.done $0x0  }
0xaa: {  	[sflag:s6] =	ssyncadd.s32 $0xFFFFD8F0  }
0xab: {  	[hbm4b:s7+s2] =	stream.linear.scatter [tilespmem:s11], [sflag:$0x3], $0x2710, $0x38;
	[tilespmem:$0x13C00] =	vst v63  }
0xac: {  	_ =	swait.ge [sflag:s6], $0x2710  }
0xad: {  	[sflag:s6] =	ssyncset.done $0x0  }
0xae: {  	[sflag:s6] =	ssyncadd.s32 $0xFFFFD8F0  }
0xaf: {  	_ =	swait.ge [sflag:s9], $0x2710  }
0xb0: {  	[sflag:s9] =	ssyncset.done $0x0  }
0xb1: {  	[sflag:s9] =	ssyncadd.s32 $0xFFFFD8F0  }
0xb2: {  	_ =	swait.ge [sflag:s9], $0x2710  }
0xb3: {  	s1 =	rddreg [dreg:$0xa]  }
0xb4: {  	p1 =	sne.s32 s1, $0x1  }
.Ltmp1:
0xb5: {  	_ = 	snop;
	(pc) =	sbr.rel @!p1 .LBB2_3-.Ltmp1, $4  }
0xb6: {  	[sflag:s9] =	ssyncset.done $0x0  }
0xb7: {  	[sflag:s9] =	ssyncadd.s32 $0xFFFFD8F0  }
0xb8: {  	p0 =	por $0x1, $0x1;
	_ =	swait.ge [sflag:s9], $0x2710  }
0xb9: {  	s1 =	sadd.s32 $0xFFFFFFFF, s1;
	s0 =	rddreg [dreg:$0x4];
	[sflag:s9] =	ssyncset.done $0x0  }
.LBB2_2:
0xba: {  	[sflag:s9] =	ssyncadd.s32 $0xFFFFD8F0  }
0xbb: {  	[tilespmem:s2], [sflag:$0x3] =	stream.linear.gather [hbm4b:s0+s2], $0x2710, $0x38;
	[tilespmem:$0x13C00] =	vst v63  }
0xbc: {  	_ =	swait.ge [sflag:s6], $0x2710  }
0xbd: {  	[sflag:s6] =	ssyncset.done $0x0  }
0xbe: {  	[sflag:s6] =	ssyncadd.s32 $0xFFFFD8F0  }
0xbf: {  	[tilespmem:s13], [sflag:$0x1] =	stream.indirect.gather [hbm4b:s4+s22], $0x1, s2, s22, $0xb8;
	[tilespmem:$0x13C00] =	vst v63  }
0xc0: {  	_ = 	snop  }
0xc1: {  	[tilespmem:s12], [sflag:$0x1] =	stream.indirect.gather [hbm4b:s5+s22], $0x1, s2, s22, $0xb8;
	[tilespmem:$0x13C00] =	vst v63  }
0xc2: {  	_ = 	snop  }
0xc3: {  	[tilespmem:s11], [sflag:$0x1] =	stream.indirect.gather [hbm4b:s3+s22], $0x1, s2, s22, $0xb8;
	[tilespmem:$0x13C00] =	vst v63  }
0xc4: {  	s0 =	rddreg [dreg:$0x5]  }
0xc5: {  	[tilespmem:s31], [sflag:$0x3] =	stream.linear.gather [hbm4b:s0+s2], $0x2710, $0x38;
	[tilespmem:$0x13C00] =	vst v63  }
0xc6: {  	_ =	swait.ge [sflag:s6], $0x2710  }
0xc7: {  	[sflag:s6] =	ssyncset.done $0x0  }
0xc8: {  	[sflag:s6] =	ssyncadd.s32 $0xFFFFD8F0  }
0xc9: {  	[tilespmem:s19], [sflag:$0x1] =	stream.indirect.gather [hbm4b:s4+s22], $0x1, s31, s22, $0xb8;
	[tilespmem:$0x13C00] =	vst v63  }
0xca: {  	_ = 	snop  }
0xcb: {  	[tilespmem:s20], [sflag:$0x1] =	stream.indirect.gather [hbm4b:s5+s22], $0x1, s31, s22, $0xb8;
	[tilespmem:$0x13C00] =	vst v63  }
0xcc: {  	_ = 	snop  }
0xcd: {  	[tilespmem:s21], [sflag:$0x1] =	stream.indirect.gather [hbm4b:s3+s22], $0x1, s31, s22, $0xb8;
	[tilespmem:$0x13C00] =	vst v63  }
0xce: {  	_ =	swait.ge [sflag:s17], $0x2710  }
0xcf: {  	[sflag:s17] =	ssyncset.done $0x0  }
0xd0: {  	s19 =	smov.u32 s30;
	[sflag:s17] =	ssyncadd.s32 $0xFFFFD8F0  }
0xd1: {  	s30 =	smov.u32 s29;
	s29 =	smov.u32 s28;
	_ =	swait.ge [sflag:s17], $0x2710  }
0xd2: {  	s28 =	smov.u32 s26;
	s26 =	smov.u32 s25;
	[sflag:s17] =	ssyncset.done $0x0  }
0xd3: {  	s25 =	smov.u32 s24;
	s24 =	smov.u32 s23;
	[sflag:s17] =	ssyncadd.s32 $0xFFFFD8F0  }
0xd4: {  	s23 =	smov.u32 s18;
	s18 =	smov.u32 s16;
	_ =	swait.ge [sflag:s17], $0x2710  }
0xd5: {  	s16 =	smov.u32 s15;
	s15 =	smov.u32 s14;
	[sflag:s17] =	ssyncset.done $0x0  }
0xd6: {  	s14 =	smov.u32 s10;
	s0 =	rddreg [dreg:$0x6];
	[sflag:s17] =	ssyncadd.s32 $0xFFFFD8F0  }
0xd7: {  	[hbm4b:s0+s2] =	stream.linear.scatter [tilespmem:s13], [sflag:$0x2], $0x2710, $0x38;
	[tilespmem:$0x13C00] =	vst v63  }
0xd8: {  	s10 =	smov.u32 s8;
	s8 =	smov.u32 s7;
	s7 =	rddreg [dreg:$0x7]  }
0xd9: {  	[hbm4b:s7+s2] =	stream.linear.scatter [tilespmem:s12], [sflag:$0x2], $0x2710, $0x38;
	[tilespmem:$0x13C00] =	vst v63  }
0xda: {  	s0 =	rddreg [dreg:$0x8]  }
0xdb: {  	[hbm4b:s0+s2] =	stream.linear.scatter [tilespmem:s11], [sflag:$0x2], $0x2710, $0x38;
	[tilespmem:$0x13C00] =	vst v63  }
0xdc: {  	_ =	swait.ge [sflag:s9], $0x2710  }
0xdd: {  	[sflag:s9] =	ssyncset.done $0x0  }
0xde: {  	[sflag:s9] =	ssyncadd.s32 $0xFFFFD8F0  }
0xdf: {  	_ =	swait.ge [sflag:s9], $0x2710  }
0xe0: {  	[sflag:s9] =	ssyncset.done $0x0  }
0xe1: {  	[sflag:s9] =	ssyncadd.s32 $0xFFFFD8F0  }
0xe2: {  	_ =	swait.ge [sflag:s9], $0x2710  }
0xe3: {  	[sflag:s9] =	ssyncset.done $0x0  }
0xe4: {  	s0 =	rddreg [dreg:$0x9];
	[sflag:s9] =	ssyncadd.s32 $0xFFFFD8F0  }
0xe5: {  	[tilespmem:s2], [sflag:$0x3] =	stream.linear.gather [hbm4b:s0+s2], $0x2710, $0x38;
	[tilespmem:$0x13C00] =	vst v63  }
0xe6: {  	_ =	swait.ge [sflag:s6], $0x2710  }
0xe7: {  	[sflag:s6] =	ssyncset.done $0x0  }
0xe8: {  	[sflag:s6] =	ssyncadd.s32 $0xFFFFD8F0  }
0xe9: {  	[tilespmem:s13], [sflag:$0x1] =	stream.indirect.gather [hbm4b:s4+s22], $0x1, s2, s22, $0xb8;
	[tilespmem:$0x13C00] =	vst v63  }
0xea: {  	_ = 	snop  }
0xeb: {  	[tilespmem:s12], [sflag:$0x1] =	stream.indirect.gather [hbm4b:s5+s22], $0x1, s2, s22, $0xb8;
	[tilespmem:$0x13C00] =	vst v63  }
0xec: {  	_ = 	snop  }
0xed: {  	[tilespmem:s11], [sflag:$0x1] =	stream.indirect.gather [hbm4b:s3+s22], $0x1, s2, s22, $0xb8;
	[tilespmem:$0x13C00] =	vst v63  }
0xee: {  	_ =	swait.ge [sflag:s17], $0x2710  }
0xef: {  	s7 =	smov.u32 s8;
	[sflag:s17] =	ssyncset.done $0x0  }
0xf0: {  	s8 =	smov.u32 s10;
	s10 =	smov.u32 s14;
	[sflag:s17] =	ssyncadd.s32 $0xFFFFD8F0  }
0xf1: {  	s14 =	smov.u32 s15;
	s15 =	smov.u32 s16;
	_ =	swait.ge [sflag:s17], $0x2710  }
0xf2: {  	s16 =	smov.u32 s18;
	s18 =	smov.u32 s23;
	[sflag:s17] =	ssyncset.done $0x0  }
0xf3: {  	s23 =	smov.u32 s24;
	s24 =	smov.u32 s25;
	[sflag:s17] =	ssyncadd.s32 $0xFFFFD8F0  }
0xf4: {  	s25 =	smov.u32 s26;
	s26 =	smov.u32 s28;
	_ =	swait.ge [sflag:s17], $0x2710  }
0xf5: {  	s28 =	smov.u32 s29;
	s29 =	smov.u32 s30;
	[sflag:s17] =	ssyncset.done $0x0  }
0xf6: {  	s30 =	smov.u32 s19;
	s19 =	simm.s32 $0x7680;
	[sflag:s17] =	ssyncadd.s32 $0xFFFFD8F0  }
0xf7: {  	[hbm4b:s28+s2] =	stream.linear.scatter [tilespmem:s19], [sflag:$0x2], $0x2710, $0x38;
	[tilespmem:$0x13C00] =	vst v63  }
0xf8: {  	_ = 	snop  }
0xf9: {  	[hbm4b:s29+s2] =	stream.linear.scatter [tilespmem:s20], [sflag:$0x2], $0x2710, $0x38;
	[tilespmem:$0x13C00] =	vst v63  }
0xfa: {  	_ = 	snop  }
0xfb: {  	[hbm4b:s30+s2] =	stream.linear.scatter [tilespmem:s21], [sflag:$0x2], $0x2710, $0x38;
	[tilespmem:$0x13C00] =	vst v63  }
0xfc: {  	_ =	swait.ge [sflag:s9], $0x2710  }
0xfd: {  	[sflag:s9] =	ssyncset.done $0x0  }
0xfe: {  	[sflag:s9] =	ssyncadd.s32 $0xFFFFD8F0  }
0xff: {  	_ =	swait.ge [sflag:s9], $0x2710  }
0x100: {  	[sflag:s9] =	ssyncset.done $0x0  }
0x101: {  	[sflag:s9] =	ssyncadd.s32 $0xFFFFD8F0  }
0x102: {  	_ =	swait.ge [sflag:s9], $0x2710  }
0x103: {  	[sflag:s9] =	ssyncset.done $0x0  }
0x104: {  	[sflag:s9] =	ssyncadd.s32 $0xFFFFD8F0  }
0x105: {  	[tilespmem:s31], [sflag:$0x3] =	stream.linear.gather [hbm4b:s26+s2], $0x2710, $0x38;
	[tilespmem:$0x13C00] =	vst v63  }
0x106: {  	_ =	swait.ge [sflag:s6], $0x2710  }
0x107: {  	[sflag:s6] =	ssyncset.done $0x0  }
0x108: {  	[sflag:s6] =	ssyncadd.s32 $0xFFFFD8F0  }
0x109: {  	[tilespmem:s19], [sflag:$0x1] =	stream.indirect.gather [hbm4b:s4+s22], $0x1, s31, s22, $0xb8;
	[tilespmem:$0x13C00] =	vst v63  }
0x10a: {  	_ = 	snop  }
0x10b: {  	[tilespmem:s20], [sflag:$0x1] =	stream.indirect.gather [hbm4b:s5+s22], $0x1, s31, s22, $0xb8;
	[tilespmem:$0x13C00] =	vst v63  }
0x10c: {  	_ = 	snop  }
0x10d: {  	[tilespmem:s21], [sflag:$0x1] =	stream.indirect.gather [hbm4b:s3+s22], $0x1, s31, s22, $0xb8;
	[tilespmem:$0x13C00] =	vst v63  }
0x10e: {  	_ =	swait.ge [sflag:s17], $0x2710  }
0x10f: {  	[sflag:s17] =	ssyncset.done $0x0  }
0x110: {  	[sflag:s17] =	ssyncadd.s32 $0xFFFFD8F0  }
0x111: {  	_ =	swait.ge [sflag:s17], $0x2710  }
0x112: {  	[sflag:s17] =	ssyncset.done $0x0  }
0x113: {  	[sflag:s17] =	ssyncadd.s32 $0xFFFFD8F0  }
0x114: {  	_ =	swait.ge [sflag:s17], $0x2710  }
0x115: {  	[sflag:s17] =	ssyncset.done $0x0  }
0x116: {  	[sflag:s17] =	ssyncadd.s32 $0xFFFFD8F0  }
0x117: {  	[hbm4b:s23+s2] =	stream.linear.scatter [tilespmem:s13], [sflag:$0x2], $0x2710, $0x38;
	[tilespmem:$0x13C00] =	vst v63  }
0x118: {  	_ = 	snop  }
0x119: {  	[hbm4b:s24+s2] =	stream.linear.scatter [tilespmem:s12], [sflag:$0x2], $0x2710, $0x38;
	[tilespmem:$0x13C00] =	vst v63  }
0x11a: {  	_ = 	snop  }
0x11b: {  	[hbm4b:s25+s2] =	stream.linear.scatter [tilespmem:s11], [sflag:$0x2], $0x2710, $0x38;
	[tilespmem:$0x13C00] =	vst v63  }
0x11c: {  	_ =	swait.ge [sflag:s9], $0x2710  }
0x11d: {  	[sflag:s9] =	ssyncset.done $0x0  }
0x11e: {  	[sflag:s9] =	ssyncadd.s32 $0xFFFFD8F0  }
0x11f: {  	_ =	swait.ge [sflag:s9], $0x2710  }
0x120: {  	[sflag:s9] =	ssyncset.done $0x0  }
0x121: {  	[sflag:s9] =	ssyncadd.s32 $0xFFFFD8F0  }
0x122: {  	_ =	swait.ge [sflag:s9], $0x2710  }
0x123: {  	[sflag:s9] =	ssyncset.done $0x0  }
0x124: {  	[sflag:s9] =	ssyncadd.s32 $0xFFFFD8F0  }
0x125: {  	[tilespmem:s2], [sflag:$0x3] =	stream.linear.gather [hbm4b:s18+s2], $0x2710, $0x38;
	[tilespmem:$0x13C00] =	vst v63  }
0x126: {  	_ =	swait.ge [sflag:s6], $0x2710  }
0x127: {  	[sflag:s6] =	ssyncset.done $0x0  }
0x128: {  	[sflag:s6] =	ssyncadd.s32 $0xFFFFD8F0  }
0x129: {  	[tilespmem:s13], [sflag:$0x1] =	stream.indirect.gather [hbm4b:s4+s22], $0x1, s2, s22, $0xb8;
	[tilespmem:$0x13C00] =	vst v63  }
0x12a: {  	_ = 	snop  }
0x12b: {  	[tilespmem:s12], [sflag:$0x1] =	stream.indirect.gather [hbm4b:s5+s22], $0x1, s2, s22, $0xb8;
	[tilespmem:$0x13C00] =	vst v63  }
0x12c: {  	_ = 	snop  }
0x12d: {  	[tilespmem:s11], [sflag:$0x1] =	stream.indirect.gather [hbm4b:s3+s22], $0x1, s2, s22, $0xb8;
	[tilespmem:$0x13C00] =	vst v63  }
0x12e: {  	_ =	swait.ge [sflag:s17], $0x2710  }
0x12f: {  	[sflag:s17] =	ssyncset.done $0x0  }
0x130: {  	[sflag:s17] =	ssyncadd.s32 $0xFFFFD8F0  }
0x131: {  	_ =	swait.ge [sflag:s17], $0x2710  }
0x132: {  	[sflag:s17] =	ssyncset.done $0x0  }
0x133: {  	[sflag:s17] =	ssyncadd.s32 $0xFFFFD8F0  }
0x134: {  	_ =	swait.ge [sflag:s17], $0x2710  }
0x135: {  	[sflag:s17] =	ssyncset.done $0x0  }
0x136: {  	[sflag:s17] =	ssyncadd.s32 $0xFFFFD8F0  }
0x137: {  	[hbm4b:s14+s2] =	stream.linear.scatter [tilespmem:s19], [sflag:$0x2], $0x2710, $0x38;
	[tilespmem:$0x13C00] =	vst v63  }
0x138: {  	_ = 	snop  }
0x139: {  	[hbm4b:s15+s2] =	stream.linear.scatter [tilespmem:s20], [sflag:$0x2], $0x2710, $0x38;
	[tilespmem:$0x13C00] =	vst v63  }
0x13a: {  	_ = 	snop  }
0x13b: {  	[hbm4b:s16+s2] =	stream.linear.scatter [tilespmem:s21], [sflag:$0x2], $0x2710, $0x38;
	[tilespmem:$0x13C00] =	vst v63  }
0x13c: {  	_ =	swait.ge [sflag:s17], $0x2710  }
0x13d: {  	[sflag:s17] =	ssyncset.done $0x0  }
0x13e: {  	[sflag:s17] =	ssyncadd.s32 $0xFFFFD8F0  }
0x13f: {  	_ =	swait.ge [sflag:s17], $0x2710  }
0x140: {  	[sflag:s17] =	ssyncset.done $0x0  }
0x141: {  	[sflag:s17] =	ssyncadd.s32 $0xFFFFD8F0  }
0x142: {  	_ =	swait.ge [sflag:s17], $0x2710  }
0x143: {  	[sflag:s17] =	ssyncset.done $0x0  }
0x144: {  	[sflag:s17] =	ssyncadd.s32 $0xFFFFD8F0  }
0x145: {  	[hbm4b:s10+s2] =	stream.linear.scatter [tilespmem:s13], [sflag:$0x3], $0x2710, $0x38;
	[tilespmem:$0x13C00] =	vst v63  }
0x146: {  	_ =	swait.ge [sflag:s6], $0x2710  }
0x147: {  	[sflag:s6] =	ssyncset.done $0x0  }
0x148: {  	[sflag:s6] =	ssyncadd.s32 $0xFFFFD8F0  }
0x149: {  	[hbm4b:s8+s2] =	stream.linear.scatter [tilespmem:s12], [sflag:$0x3], $0x2710, $0x38;
	[tilespmem:$0x13C00] =	vst v63  }
0x14a: {  	_ =	swait.ge [sflag:s6], $0x2710  }
0x14b: {  	[sflag:s6] =	ssyncset.done $0x0  }
0x14c: {  	[sflag:s6] =	ssyncadd.s32 $0xFFFFD8F0  }
0x14d: {  	[hbm4b:s7+s2] =	stream.linear.scatter [tilespmem:s11], [sflag:$0x3], $0x2710, $0x38;
	[tilespmem:$0x13C00] =	vst v63  }
0x14e: {  	_ =	swait.ge [sflag:s6], $0x2710  }
0x14f: {  	[sflag:s6] =	ssyncset.done $0x0  }
0x150: {  	[sflag:s6] =	ssyncadd.s32 $0xFFFFD8F0  }
0x151: {  	_ =	swait.ge [sflag:s9], $0x2710  }
0x152: {  	[sflag:s9] =	ssyncset.done $0x0  }
0x153: {  	p1 =	sne.s32 s1, $0x1;
	[sflag:s9] =	ssyncadd.s32 $0xFFFFD8F0  }
.Ltmp2:
0x154: {  	_ =	swait.ge [sflag:s9], $0x2710;
	(pc) =	sbr.rel @p1 .LBB2_2-.Ltmp2, $4  }
0x155: {  	[sflag:s9] =	ssyncset.done $0x0  }
0x156: {  	[sflag:s9] =	ssyncadd.s32 $0xFFFFD8F0  }
0x157: {  	_ =	swait.ge [sflag:s9], $0x2710  }
0x158: {  	s1 =	sadd.s32 $0xFFFFFFFF, s1;
	s0 =	rddreg [dreg:$0x4];
	[sflag:s9] =	ssyncset.done $0x0  }
.LBB2_3:
0x159: {  	[sflag:s9] =	ssyncadd.s32 @p0 $0xFFFFD8F0  }
0x15a: {  	[tilespmem:s2], [sflag:$0x3] =	stream.linear.gather [hbm4b:s0+s2], $0x2710, $0x38;
	[tilespmem:$0x13C00] =	vst v63  }
0x15b: {  	_ =	swait.ge [sflag:s6], $0x2710  }
0x15c: {  	[sflag:s6] =	ssyncset.done $0x0  }
0x15d: {  	[sflag:s6] =	ssyncadd.s32 $0xFFFFD8F0  }
0x15e: {  	[tilespmem:s13], [sflag:$0x1] =	stream.indirect.gather [hbm4b:s4+s22], $0x1, s2, s22, $0xb8;
	[tilespmem:$0x13C00] =	vst v63  }
0x15f: {  	_ = 	snop  }
0x160: {  	[tilespmem:s12], [sflag:$0x1] =	stream.indirect.gather [hbm4b:s5+s22], $0x1, s2, s22, $0xb8;
	[tilespmem:$0x13C00] =	vst v63  }
0x161: {  	_ = 	snop  }
0x162: {  	[tilespmem:s11], [sflag:$0x1] =	stream.indirect.gather [hbm4b:s3+s22], $0x1, s2, s22, $0xb8;
	[tilespmem:$0x13C00] =	vst v63  }
0x163: {  	s1 =	rddreg [dreg:$0x5]  }
0x164: {  	[tilespmem:s31], [sflag:$0x3] =	stream.linear.gather [hbm4b:s1+s2], $0x2710, $0x38;
	[tilespmem:$0x13C00] =	vst v63  }
0x165: {  	_ =	swait.ge [sflag:s6], $0x2710  }
0x166: {  	[sflag:s6] =	ssyncset.done $0x0  }
0x167: {  	[sflag:s6] =	ssyncadd.s32 $0xFFFFD8F0  }
0x168: {  	[tilespmem:s19], [sflag:$0x1] =	stream.indirect.gather [hbm4b:s4+s22], $0x1, s31, s22, $0xb8;
	[tilespmem:$0x13C00] =	vst v63  }
0x169: {  	_ = 	snop  }
0x16a: {  	[tilespmem:s20], [sflag:$0x1] =	stream.indirect.gather [hbm4b:s5+s22], $0x1, s31, s22, $0xb8;
	[tilespmem:$0x13C00] =	vst v63  }
0x16b: {  	_ = 	snop  }
0x16c: {  	[tilespmem:s21], [sflag:$0x1] =	stream.indirect.gather [hbm4b:s3+s22], $0x1, s31, s22, $0xb8;
	[tilespmem:$0x13C00] =	vst v63  }
0x16d: {  	_ =	swait.ge [sflag:s17], $0x2710  }
0x16e: {  	[sflag:s17] =	ssyncset.done $0x0  }
0x16f: {  	[sflag:s17] =	ssyncadd.s32 $0xFFFFD8F0  }
0x170: {  	_ =	swait.ge [sflag:s17], $0x2710  }
0x171: {  	[sflag:s17] =	ssyncset.done $0x0  }
0x172: {  	[sflag:s17] =	ssyncadd.s32 $0xFFFFD8F0  }
0x173: {  	_ =	swait.ge [sflag:s17], $0x2710  }
0x174: {  	[sflag:s17] =	ssyncset.done $0x0  }
0x175: {  	s0 =	rddreg [dreg:$0x6];
	[sflag:s17] =	ssyncadd.s32 $0xFFFFD8F0  }
0x176: {  	[hbm4b:s0+s2] =	stream.linear.scatter [tilespmem:s13], [sflag:$0x2], $0x2710, $0x38;
	[tilespmem:$0x13C00] =	vst v63  }
0x177: {  	s1 =	rddreg [dreg:$0x7]  }
0x178: {  	[hbm4b:s1+s2] =	stream.linear.scatter [tilespmem:s12], [sflag:$0x2], $0x2710, $0x38;
	[tilespmem:$0x13C00] =	vst v63  }
0x179: {  	s0 =	rddreg [dreg:$0x8]  }
0x17a: {  	[hbm4b:s0+s2] =	stream.linear.scatter [tilespmem:s11], [sflag:$0x2], $0x2710, $0x38;
	[tilespmem:$0x13C00] =	vst v63  }
0x17b: {  	_ =	swait.ge [sflag:s9], $0x2710  }
0x17c: {  	[sflag:s9] =	ssyncset.done $0x0  }
0x17d: {  	[sflag:s9] =	ssyncadd.s32 $0xFFFFD8F0  }
0x17e: {  	_ =	swait.ge [sflag:s9], $0x2710  }
0x17f: {  	[sflag:s9] =	ssyncset.done $0x0  }
0x180: {  	[sflag:s9] =	ssyncadd.s32 $0xFFFFD8F0  }
0x181: {  	_ =	swait.ge [sflag:s9], $0x2710  }
0x182: {  	[sflag:s9] =	ssyncset.done $0x0  }
0x183: {  	s1 =	rddreg [dreg:$0x9];
	[sflag:s9] =	ssyncadd.s32 $0xFFFFD8F0  }
0x184: {  	[tilespmem:s2], [sflag:$0x3] =	stream.linear.gather [hbm4b:s1+s2], $0x2710, $0x38;
	[tilespmem:$0x13C00] =	vst v63  }
0x185: {  	_ =	swait.ge [sflag:s6], $0x2710  }
0x186: {  	[sflag:s6] =	ssyncset.done $0x0  }
0x187: {  	[sflag:s6] =	ssyncadd.s32 $0xFFFFD8F0  }
0x188: {  	[tilespmem:s13], [sflag:$0x1] =	stream.indirect.gather [hbm4b:s4+s22], $0x1, s2, s22, $0xb8;
	[tilespmem:$0x13C00] =	vst v63  }
0x189: {  	_ = 	snop  }
0x18a: {  	[tilespmem:s12], [sflag:$0x1] =	stream.indirect.gather [hbm4b:s5+s22], $0x1, s2, s22, $0xb8;
	[tilespmem:$0x13C00] =	vst v63  }
0x18b: {  	_ = 	snop  }
0x18c: {  	[tilespmem:s11], [sflag:$0x1] =	stream.indirect.gather [hbm4b:s3+s22], $0x1, s2, s22, $0xb8;
	[tilespmem:$0x13C00] =	vst v63  }
0x18d: {  	_ =	swait.ge [sflag:s17], $0x2710  }
0x18e: {  	[sflag:s17] =	ssyncset.done $0x0  }
0x18f: {  	[sflag:s17] =	ssyncadd.s32 $0xFFFFD8F0  }
0x190: {  	_ =	swait.ge [sflag:s17], $0x2710  }
0x191: {  	[sflag:s17] =	ssyncset.done $0x0  }
0x192: {  	[sflag:s17] =	ssyncadd.s32 $0xFFFFD8F0  }
0x193: {  	_ =	swait.ge [sflag:s17], $0x2710  }
0x194: {  	[sflag:s17] =	ssyncset.done $0x0  }
0x195: {  	[sflag:s17] =	ssyncadd.s32 $0xFFFFD8F0  }
0x196: {  	[hbm4b:s28+s2] =	stream.linear.scatter [tilespmem:s19], [sflag:$0x2], $0x2710, $0x38;
	[tilespmem:$0x13C00] =	vst v63  }
0x197: {  	_ = 	snop  }
0x198: {  	[hbm4b:s29+s2] =	stream.linear.scatter [tilespmem:s20], [sflag:$0x2], $0x2710, $0x38;
	[tilespmem:$0x13C00] =	vst v63  }
0x199: {  	_ = 	snop  }
0x19a: {  	[hbm4b:s30+s2] =	stream.linear.scatter [tilespmem:s21], [sflag:$0x2], $0x2710, $0x38;
	[tilespmem:$0x13C00] =	vst v63  }
0x19b: {  	_ =	swait.ge [sflag:s9], $0x2710  }
0x19c: {  	[sflag:s9] =	ssyncset.done $0x0  }
0x19d: {  	[sflag:s9] =	ssyncadd.s32 $0xFFFFD8F0  }
0x19e: {  	_ =	swait.ge [sflag:s9], $0x2710  }
0x19f: {  	[sflag:s9] =	ssyncset.done $0x0  }
0x1a0: {  	[sflag:s9] =	ssyncadd.s32 $0xFFFFD8F0  }
0x1a1: {  	_ =	swait.ge [sflag:s9], $0x2710  }
0x1a2: {  	[sflag:s9] =	ssyncset.done $0x0  }
0x1a3: {  	[sflag:s9] =	ssyncadd.s32 $0xFFFFD8F0  }
0x1a4: {  	[tilespmem:s31], [sflag:$0x3] =	stream.linear.gather [hbm4b:s26+s2], $0x2710, $0x38;
	[tilespmem:$0x13C00] =	vst v63  }
0x1a5: {  	_ =	swait.ge [sflag:s6], $0x2710  }
0x1a6: {  	[sflag:s6] =	ssyncset.done $0x0  }
0x1a7: {  	[sflag:s6] =	ssyncadd.s32 $0xFFFFD8F0  }
0x1a8: {  	[tilespmem:s19], [sflag:$0x1] =	stream.indirect.gather [hbm4b:s4+s22], $0x1, s31, s22, $0xb8;
	[tilespmem:$0x13C00] =	vst v63  }
0x1a9: {  	_ = 	snop  }
0x1aa: {  	[tilespmem:s20], [sflag:$0x1] =	stream.indirect.gather [hbm4b:s5+s22], $0x1, s31, s22, $0xb8;
	[tilespmem:$0x13C00] =	vst v63  }
0x1ab: {  	_ = 	snop  }
0x1ac: {  	[tilespmem:s21], [sflag:$0x1] =	stream.indirect.gather [hbm4b:s3+s22], $0x1, s31, s22, $0xb8;
	[tilespmem:$0x13C00] =	vst v63  }
0x1ad: {  	_ =	swait.ge [sflag:s17], $0x2710  }
0x1ae: {  	[sflag:s17] =	ssyncset.done $0x0  }
0x1af: {  	[sflag:s17] =	ssyncadd.s32 $0xFFFFD8F0  }
0x1b0: {  	_ =	swait.ge [sflag:s17], $0x2710  }
0x1b1: {  	[sflag:s17] =	ssyncset.done $0x0  }
0x1b2: {  	[sflag:s17] =	ssyncadd.s32 $0xFFFFD8F0  }
0x1b3: {  	_ =	swait.ge [sflag:s17], $0x2710  }
0x1b4: {  	[sflag:s17] =	ssyncset.done $0x0  }
0x1b5: {  	[sflag:s17] =	ssyncadd.s32 $0xFFFFD8F0  }
0x1b6: {  	[hbm4b:s23+s2] =	stream.linear.scatter [tilespmem:s13], [sflag:$0x2], $0x2710, $0x38;
	[tilespmem:$0x13C00] =	vst v63  }
0x1b7: {  	_ = 	snop  }
0x1b8: {  	[hbm4b:s24+s2] =	stream.linear.scatter [tilespmem:s12], [sflag:$0x2], $0x2710, $0x38;
	[tilespmem:$0x13C00] =	vst v63  }
0x1b9: {  	_ = 	snop  }
0x1ba: {  	[hbm4b:s25+s2] =	stream.linear.scatter [tilespmem:s11], [sflag:$0x2], $0x2710, $0x38;
	[tilespmem:$0x13C00] =	vst v63  }
0x1bb: {  	_ =	swait.ge [sflag:s9], $0x2710  }
0x1bc: {  	[sflag:s9] =	ssyncset.done $0x0  }
0x1bd: {  	[sflag:s9] =	ssyncadd.s32 $0xFFFFD8F0  }
0x1be: {  	_ =	swait.ge [sflag:s9], $0x2710  }
0x1bf: {  	[sflag:s9] =	ssyncset.done $0x0  }
0x1c0: {  	[sflag:s9] =	ssyncadd.s32 $0xFFFFD8F0  }
0x1c1: {  	_ =	swait.ge [sflag:s9], $0x2710  }
0x1c2: {  	[sflag:s9] =	ssyncset.done $0x0  }
0x1c3: {  	[sflag:s9] =	ssyncadd.s32 $0xFFFFD8F0  }
0x1c4: {  	[tilespmem:s2], [sflag:$0x3] =	stream.linear.gather [hbm4b:s18+s2], $0x2710, $0x38;
	[tilespmem:$0x13C00] =	vst v63  }
0x1c5: {  	_ =	swait.ge [sflag:s6], $0x2710  }
0x1c6: {  	[sflag:s6] =	ssyncset.done $0x0  }
0x1c7: {  	[sflag:s6] =	ssyncadd.s32 $0xFFFFD8F0  }
0x1c8: {  	[tilespmem:s13], [sflag:$0x1] =	stream.indirect.gather [hbm4b:s4+s22], $0x1, s2, s22, $0xb8;
	[tilespmem:$0x13C00] =	vst v63  }
0x1c9: {  	_ = 	snop  }
0x1ca: {  	[tilespmem:s12], [sflag:$0x1] =	stream.indirect.gather [hbm4b:s5+s22], $0x1, s2, s22, $0xb8;
	[tilespmem:$0x13C00] =	vst v63  }
0x1cb: {  	_ = 	snop  }
0x1cc: {  	[tilespmem:s11], [sflag:$0x1] =	stream.indirect.gather [hbm4b:s3+s22], $0x1, s2, s22, $0xb8;
	[tilespmem:$0x13C00] =	vst v63  }
0x1cd: {  	_ =	swait.ge [sflag:s17], $0x2710  }
0x1ce: {  	[sflag:s17] =	ssyncset.done $0x0  }
0x1cf: {  	[sflag:s17] =	ssyncadd.s32 $0xFFFFD8F0  }
0x1d0: {  	_ =	swait.ge [sflag:s17], $0x2710  }
0x1d1: {  	[sflag:s17] =	ssyncset.done $0x0  }
0x1d2: {  	[sflag:s17] =	ssyncadd.s32 $0xFFFFD8F0  }
0x1d3: {  	_ =	swait.ge [sflag:s17], $0x2710  }
0x1d4: {  	[sflag:s17] =	ssyncset.done $0x0  }
0x1d5: {  	[sflag:s17] =	ssyncadd.s32 $0xFFFFD8F0  }
0x1d6: {  	[hbm4b:s14+s2] =	stream.linear.scatter [tilespmem:s19], [sflag:$0x2], $0x2710, $0x38;
	[tilespmem:$0x13C00] =	vst v63  }
0x1d7: {  	_ = 	snop  }
0x1d8: {  	[hbm4b:s15+s2] =	stream.linear.scatter [tilespmem:s20], [sflag:$0x2], $0x2710, $0x38;
	[tilespmem:$0x13C00] =	vst v63  }
0x1d9: {  	_ = 	snop  }
0x1da: {  	[hbm4b:s16+s2] =	stream.linear.scatter [tilespmem:s21], [sflag:$0x2], $0x2710, $0x38;
	[tilespmem:$0x13C00] =	vst v63  }
0x1db: {  	_ =	swait.ge [sflag:s17], $0x2710  }
0x1dc: {  	[sflag:s17] =	ssyncset.done $0x0  }
0x1dd: {  	[sflag:s17] =	ssyncadd.s32 $0xFFFFD8F0  }
0x1de: {  	_ =	swait.ge [sflag:s17], $0x2710  }
0x1df: {  	[sflag:s17] =	ssyncset.done $0x0  }
0x1e0: {  	[sflag:s17] =	ssyncadd.s32 $0xFFFFD8F0  }
0x1e1: {  	_ =	swait.ge [sflag:s17], $0x2710  }
0x1e2: {  	[sflag:s17] =	ssyncset.done $0x0  }
0x1e3: {  	[sflag:s17] =	ssyncadd.s32 $0xFFFFD8F0  }
0x1e4: {  	[hbm4b:s10+s2] =	stream.linear.scatter [tilespmem:s13], [sflag:$0x3], $0x2710, $0x38;
	[tilespmem:$0x13C00] =	vst v63  }
0x1e5: {  	_ =	swait.ge [sflag:s6], $0x2710  }
0x1e6: {  	[sflag:s6] =	ssyncset.done $0x0  }
0x1e7: {  	[sflag:s6] =	ssyncadd.s32 $0xFFFFD8F0  }
0x1e8: {  	[hbm4b:s8+s2] =	stream.linear.scatter [tilespmem:s12], [sflag:$0x3], $0x2710, $0x38;
	[tilespmem:$0x13C00] =	vst v63  }
0x1e9: {  	_ =	swait.ge [sflag:s6], $0x2710  }
0x1ea: {  	[sflag:s6] =	ssyncset.done $0x0  }
0x1eb: {  	[sflag:s6] =	ssyncadd.s32 $0xFFFFD8F0  }
0x1ec: {  	[hbm4b:s7+s2] =	stream.linear.scatter [tilespmem:s11], [sflag:$0x3], $0x2710, $0x38;
	[tilespmem:$0x13C00] =	vst v63  }
0x1ed: {  	_ =	swait.ge [sflag:s6], $0x2710  }
0x1ee: {  	[sflag:s6] =	ssyncset.done $0x0  }
0x1ef: {  	[sflag:s6] =	ssyncadd.s32 $0xFFFFD8F0  }
0x1f0: {  	_ =	swait.ge [sflag:s9], $0x2710  }
0x1f1: {  	[sflag:s9] =	ssyncset.done $0x0  }
0x1f2: {  	[sflag:s9] =	ssyncadd.s32 $0xFFFFD8F0  }
0x1f3: {  	_ =	swait.ge [sflag:s9], $0x2710  }
0x1f4: {  	[sflag:s9] =	ssyncset.done $0x0  }
0x1f5: {  	[sflag:s9] =	ssyncadd.s32 $0xFFFFD8F0  }
0x1f6: {  	_ =	swait.ge [sflag:s9], $0x2710  }
0x1f7: {  	[sflag:s9] =	ssyncset.done $0x0  }
0x1f8: {  	[sflag:s9] =	ssyncadd.s32 $0xFFFFD8F0  }
0x1f9: {  	_ =	sfence.sel $0x180000  }
0x1fa: {  	[bflag:$0x0] =	sbarrier.arrive $0xFFFF  }
0x1fb: {  	_ =	strace $0x9000004A  }
0x1fc: {  	s31 =	stileid.u32;
	[bflag:$0x2] =	sbarrier.arrive $0xFFFF  }
0x1fd: {  	p0 =	sne.s32 s31, $0x0;
	s0 =	rddreg [dreg:$0x3]  }
0x1fe: {  	s0 =	sadd.s32 @!p0 $0x100000, s0  }
0x1ff: {  	[sflag:s0] =	ssyncadd.tile.s32 @!p0 $0x1;
	_ =	shalt  }
.Lfunc_end2:
_tile_overlayer_lowered:
.L_overlay_start_2:
0x200: {  	(tag) =	ssettag $0x2  }
0x201: {  	s0 =	rddreg [dreg:$0x0];
	s2 =	stileid.u32  }
0x202: {  	s1 =	rddreg [dreg:$0x1];
	p0 =	sne.s32 s2, $0x0  }
0x203: {  	s3 =	rddreg [dreg:$0x2];
	[bflag:$0x3] =	sbarrier.arrive $0xFFFF;
	s2 =	simm.s32 @!p0 $0x1C03  }
0x204: {  	[timem:s3], [sflag:s2] =	dma.local @!p0 [hbm:s0], s1  }
0x205: {  	s0 =	simm.s32 @!p0 $0x3  }
0x206: {  	_ =	swait.ge @!p0 [sflag:s0], s1  }
0x207: {  	s1 =	ssub.s32 @!p0 $0x0, s1;
	[sflag:s0] =	ssyncset.done @!p0 $0x0  }
0x208: {  	[sflag:s0] =	ssyncadd.s32 @!p0 s1  }
0x209: {  	[bflag:$0x3] =	sbarrier.arrive $0xFFFF  }
0x20a: {  	_ =	shalt  }

</sc_bundles>
